<compile_context>
chip_gen: v7x
topology: tpu7x:2x2x1
jax: 0.10.2.dev20260603
libtpu: 0.0.44.dev20260713+nightly
codegen_flags: <defaults>
</compile_context>

<pallas_src>
import jax
import jax.numpy as jnp
from jax.experimental import pallas as pl
from jax.experimental.pallas import tpu as pltpu

PRE_MAX = 2048
POST_MAX = 512
IOU_THRESH = 0.7
SCORE_THRESH = 0.1
_BLK = 256


def _nms_body(b5_ref, bT_ref, ts_ref, out_ref, c_ref, u_ref):
    b5 = b5_ref[...]
    bT = bT_ref[...]
    ts = ts_ref[...]

    cx = b5[:, 0:1]
    cy = b5[:, 1:2]
    w = b5[:, 2:3]
    h = b5[:, 3:4]
    x1c = cx - w * 0.5
    y1c = cy - h * 0.5
    x2c = cx + w * 0.5
    y2c = cy + h * 0.5
    areac = (x2c - x1c) * (y2c - y1c)

    cxr = bT[0:1, :]
    cyr = bT[1:2, :]
    wr = bT[2:3, :]
    hr = bT[3:4, :]
    x1r = cxr - wr * 0.5
    y1r = cyr - hr * 0.5
    x2r = cxr + wr * 0.5
    y2r = cyr + hr * 0.5
    arear = (x2r - x1r) * (y2r - y1r)

    def tile(s):
        tx1 = x1c[s:s + _BLK]
        ty1 = y1c[s:s + _BLK]
        tx2 = x2c[s:s + _BLK]
        ty2 = y2c[s:s + _BLK]
        ta = areac[s:s + _BLK]
        ix1 = jnp.maximum(tx1, x1r)
        iy1 = jnp.maximum(ty1, y1r)
        ix2 = jnp.minimum(tx2, x2r)
        iy2 = jnp.minimum(ty2, y2r)
        iw = jnp.maximum(ix2 - ix1, 0.0)
        ih = jnp.maximum(iy2 - iy1, 0.0)
        inter = iw * ih
        iou = inter / ((ta + arear) - inter + 1e-8)
        rowid = s + jax.lax.broadcasted_iota(jnp.int32, (_BLK, PRE_MAX), 0)
        colid = jax.lax.broadcasted_iota(jnp.int32, (_BLK, PRE_MAX), 1)
        conf = (iou > IOU_THRESH) & (rowid < colid)
        c_ref[s:s + _BLK, :] = conf.astype(jnp.bfloat16)
        u_ref[s:s + _BLK, :] = (rowid <= colid).astype(jnp.bfloat16)

    for k in range(PRE_MAX // _BLK):
        tile(k * _BLK)

    conflict = c_ref[...]

    def cond(state):
        return state[0]

    def body(state):
        _, keep = state
        hits = jax.lax.dot_general(
            keep.astype(jnp.bfloat16), conflict,
            (((1,), (0,)), ((), ())),
            preferred_element_type=jnp.float32)
        new = jnp.where(hits > 0.5, 0.0, 1.0)
        return jnp.any(new != keep), new

    keep0 = jnp.ones((1, PRE_MAX), jnp.float32)
    _, keep = jax.lax.while_loop(cond, body, (jnp.bool_(True), keep0))

    validb = (keep > 0.5) & (ts >= SCORE_THRESH)
    ranked = jnp.where(validb, ts, -1.0)
    cv = jax.lax.dot_general(
        validb.astype(jnp.bfloat16), u_ref[...],
        (((1,), (0,)), ((), ())),
        preferred_element_type=jnp.float32)
    nv = jnp.sum(validb.astype(jnp.float32))
    pos = jax.lax.broadcasted_iota(jnp.int32, (1, PRE_MAX), 1).astype(jnp.float32)
    dest = jnp.where(validb, cv - 1.0, nv + pos - cv)

    prow = jax.lax.broadcasted_iota(
        jnp.int32, (POST_MAX, PRE_MAX), 0).astype(jnp.float32)
    P = (prow == dest).astype(jnp.float32)
    cols = [jnp.sum(P * bT[c:c + 1, :], axis=1, keepdims=True)
            for c in range(4)]
    cols.append(jnp.sum(P * ranked, axis=1, keepdims=True))
    onehot5 = jax.lax.broadcasted_iota(jnp.int32, (1, 5), 1)
    out = jnp.zeros((POST_MAX, 5), jnp.float32)
    for c in range(5):
        out = out + cols[c] * (onehot5 == c).astype(jnp.float32)
    out_ref[...] = out


def kernel(boxes, scores):
    top_scores, order = jax.lax.top_k(jax.nn.sigmoid(scores), PRE_MAX)
    b = jnp.take(boxes, order, axis=0)
    b5 = jnp.pad(b, ((0, 0), (0, 1)))
    bT = b.T
    ts = top_scores[None, :]
    return pl.pallas_call(
        _nms_body,
        out_shape=jax.ShapeDtypeStruct((POST_MAX, 5), jnp.float32),
        scratch_shapes=[
            pltpu.VMEM((PRE_MAX, PRE_MAX), jnp.bfloat16),
            pltpu.VMEM((PRE_MAX, PRE_MAX), jnp.bfloat16),
        ],
    )(b5, bT, ts)

# --- scband reference (transcript-rebuilt; emitter-appended) ---
"""Pipeline reference for scband-detector3-d-87144886436322 (READ-ONLY COPY).

The authoritative reference and input builder live on the scoring server;
editing this copy changes nothing except your own understanding.
"""

import jax, jax.numpy as jnp
import numpy as np

PRE_MAX = 2048
POST_MAX = 512
IOU_THRESH = 0.7
SCORE_THRESH = 0.1


def _class_agnostic_nms(boxes, scores):
    # boxes: [N, 4] as [cx, cy, w, h]; scores: [N] raw logits
    normalized_scores = jax.nn.sigmoid(scores)
    # pre-NMS top-k ranking (as in typical detector post_processing)
    top_scores, order = jax.lax.top_k(normalized_scores, PRE_MAX)
    b = jnp.take(boxes, order, axis=0)
    x1 = b[:, 0] - b[:, 2] * 0.5
    y1 = b[:, 1] - b[:, 3] * 0.5
    x2 = b[:, 0] + b[:, 2] * 0.5
    y2 = b[:, 1] + b[:, 3] * 0.5
    area = (x2 - x1) * (y2 - y1)
    ix1 = jnp.maximum(x1[:, None], x1[None, :])
    iy1 = jnp.maximum(y1[:, None], y1[None, :])
    ix2 = jnp.minimum(x2[:, None], x2[None, :])
    iy2 = jnp.minimum(y2[:, None], y2[None, :])
    iw = jnp.clip(ix2 - ix1, 0.0)
    ih = jnp.clip(iy2 - iy1, 0.0)
    inter = iw * ih
    iou = inter / (area[:, None] + area[None, :] - inter + 1e-8)
    idxs = jnp.arange(PRE_MAX)

    def body(keep, i):
        suppress = (iou[i] > IOU_THRESH) & (idxs > i) & keep[i]
        keep = keep & (~suppress)
        return keep, None

    keep, _ = jax.lax.scan(body, jnp.ones((PRE_MAX,), dtype=bool), idxs)
    valid = keep & (top_scores >= SCORE_THRESH)
    ranked = jnp.where(valid, top_scores, -1.0)
    final_scores, sel = jax.lax.top_k(ranked, POST_MAX)
    final_boxes = jnp.take(b, sel, axis=0)
    return jnp.concatenate([final_boxes, final_scores[:, None]], axis=1)


def setup_inputs(seed: int = 0) -> dict:
    key = jax.random.key(seed)
    k1, k2 = jax.random.split(key)
    raw = jax.random.uniform(k1, (20000, 4), dtype=jnp.float32)
    # scale to realistic BEV boxes: centers in [0,100), sizes in [1,6)
    boxes = raw * jnp.array([100.0, 100.0, 5.0, 5.0], dtype=jnp.float32) + jnp.array([0.0, 0.0, 1.0, 1.0], dtype=jnp.float32)
    scores = jax.random.normal(k2, (20000,), dtype=jnp.float32)
    return {"boxes": boxes, "scores": scores}


def reference(boxes, scores):
    return _class_agnostic_nms(boxes, scores)

if __name__ == "__main__":
    import jax
    _d = setup_inputs()
    print(jax.jit(kernel)(*tuple(_d.values())))

</pallas_src>

<mosaic_0001>
module attributes {stable_mosaic.version = 14 : i64} {
  func.func @_nms_body(%arg0: memref<2048x5xf32, #tpu.memory_space<vmem>>, %arg1: memref<4x2048xf32, #tpu.memory_space<vmem>>, %arg2: memref<1x2048xf32, #tpu.memory_space<vmem>>, %arg3: memref<512x5xf32, #tpu.memory_space<vmem>>, %arg4: memref<2048x2048xbf16, #tpu.memory_space<vmem>>, %arg5: memref<2048x2048xbf16, #tpu.memory_space<vmem>>) attributes {dimension_semantics = [], scalar_prefetch = 0 : i64, scratch_operands = 2 : i64, tpu.core_type = #tpu.core_type<tc>} {
    %get3A = arith.constant 0 : index
    %get3A_0 = arith.constant 0 : index
    %get3A_1 = vector.load %arg0[%get3A, %get3A_0] : memref<2048x5xf32, #tpu.memory_space<vmem>>, vector<2048x5xf32>
    %get3A_2 = arith.constant 0 : index
    %get3A_3 = arith.constant 0 : index
    %get3A_4 = vector.load %arg1[%get3A_2, %get3A_3] : memref<4x2048xf32, #tpu.memory_space<vmem>>, vector<4x2048xf32>
    %get3A_5 = arith.constant 0 : index
    %get3A_6 = arith.constant 0 : index
    %get3A_7 = vector.load %arg2[%get3A_5, %get3A_6] : memref<1x2048xf32, #tpu.memory_space<vmem>>, vector<1x2048xf32>
    %slice3A = vector.extract_strided_slice %get3A_1 {offsets = [0, 0], sizes = [2048, 1], strides = [1, 1]} : vector<2048x5xf32> to vector<2048x1xf32>
    %slice3A_8 = vector.extract_strided_slice %get3A_1 {offsets = [0, 1], sizes = [2048, 1], strides = [1, 1]} : vector<2048x5xf32> to vector<2048x1xf32>
    %slice3A_9 = vector.extract_strided_slice %get3A_1 {offsets = [0, 2], sizes = [2048, 1], strides = [1, 1]} : vector<2048x5xf32> to vector<2048x1xf32>
    %slice3A_10 = vector.extract_strided_slice %get3A_1 {offsets = [0, 3], sizes = [2048, 1], strides = [1, 1]} : vector<2048x5xf32> to vector<2048x1xf32>
    %mul3A = arith.constant 5.000000e-01 : f32
    %mul3A_11 = vector.broadcast %mul3A : f32 to vector<2048x1xf32>
    %mul3A_12 = arith.mulf %slice3A_9, %mul3A_11 : vector<2048x1xf32>
    %sub3A = arith.subf %slice3A, %mul3A_12 : vector<2048x1xf32>
    %mul3A_13 = arith.constant 5.000000e-01 : f32
    %mul3A_14 = vector.broadcast %mul3A_13 : f32 to vector<2048x1xf32>
    %mul3A_15 = arith.mulf %slice3A_10, %mul3A_14 : vector<2048x1xf32>
    %sub3A_16 = arith.subf %slice3A_8, %mul3A_15 : vector<2048x1xf32>
    %mul3A_17 = arith.constant 5.000000e-01 : f32
    %mul3A_18 = vector.broadcast %mul3A_17 : f32 to vector<2048x1xf32>
    %mul3A_19 = arith.mulf %slice3A_9, %mul3A_18 : vector<2048x1xf32>
    %add3A = arith.addf %slice3A, %mul3A_19 : vector<2048x1xf32>
    %mul3A_20 = arith.constant 5.000000e-01 : f32
    %mul3A_21 = vector.broadcast %mul3A_20 : f32 to vector<2048x1xf32>
    %mul3A_22 = arith.mulf %slice3A_10, %mul3A_21 : vector<2048x1xf32>
    %add3A_23 = arith.addf %slice3A_8, %mul3A_22 : vector<2048x1xf32>
    %sub3A_24 = arith.subf %add3A, %sub3A : vector<2048x1xf32>
    %sub3A_25 = arith.subf %add3A_23, %sub3A_16 : vector<2048x1xf32>
    %mul3A_26 = arith.mulf %sub3A_24, %sub3A_25 : vector<2048x1xf32>
    %slice3A_27 = vector.extract_strided_slice %get3A_4 {offsets = [0, 0], sizes = [1, 2048], strides = [1, 1]} : vector<4x2048xf32> to vector<1x2048xf32>
    %slice3A_28 = vector.extract_strided_slice %get3A_4 {offsets = [1, 0], sizes = [1, 2048], strides = [1, 1]} : vector<4x2048xf32> to vector<1x2048xf32>
    %slice3A_29 = vector.extract_strided_slice %get3A_4 {offsets = [2, 0], sizes = [1, 2048], strides = [1, 1]} : vector<4x2048xf32> to vector<1x2048xf32>
    %slice3A_30 = vector.extract_strided_slice %get3A_4 {offsets = [3, 0], sizes = [1, 2048], strides = [1, 1]} : vector<4x2048xf32> to vector<1x2048xf32>
    %mul3A_31 = arith.constant 5.000000e-01 : f32
    %mul3A_32 = vector.broadcast %mul3A_31 : f32 to vector<1x2048xf32>
    %mul3A_33 = arith.mulf %slice3A_29, %mul3A_32 : vector<1x2048xf32>
    %sub3A_34 = arith.subf %slice3A_27, %mul3A_33 : vector<1x2048xf32>
    %mul3A_35 = arith.constant 5.000000e-01 : f32
    %mul3A_36 = vector.broadcast %mul3A_35 : f32 to vector<1x2048xf32>
    %mul3A_37 = arith.mulf %slice3A_30, %mul3A_36 : vector<1x2048xf32>
    %sub3A_38 = arith.subf %slice3A_28, %mul3A_37 : vector<1x2048xf32>
    %mul3A_39 = arith.constant 5.000000e-01 : f32
    %mul3A_40 = vector.broadcast %mul3A_39 : f32 to vector<1x2048xf32>
    %mul3A_41 = arith.mulf %slice3A_29, %mul3A_40 : vector<1x2048xf32>
    %add3A_42 = arith.addf %slice3A_27, %mul3A_41 : vector<1x2048xf32>
    %mul3A_43 = arith.constant 5.000000e-01 : f32
    %mul3A_44 = vector.broadcast %mul3A_43 : f32 to vector<1x2048xf32>
    %mul3A_45 = arith.mulf %slice3A_30, %mul3A_44 : vector<1x2048xf32>
    %add3A_46 = arith.addf %slice3A_28, %mul3A_45 : vector<1x2048xf32>
    %sub3A_47 = arith.subf %add3A_42, %sub3A_34 : vector<1x2048xf32>
    %sub3A_48 = arith.subf %add3A_46, %sub3A_38 : vector<1x2048xf32>
    %mul3A_49 = arith.mulf %sub3A_47, %sub3A_48 : vector<1x2048xf32>
    %slice3A_50 = vector.extract_strided_slice %sub3A {offsets = [0, 0], sizes = [256, 1], strides = [1, 1]} : vector<2048x1xf32> to vector<256x1xf32>
    %slice3A_51 = vector.extract_strided_slice %sub3A_16 {offsets = [0, 0], sizes = [256, 1], strides = [1, 1]} : vector<2048x1xf32> to vector<256x1xf32>
    %slice3A_52 = vector.extract_strided_slice %add3A {offsets = [0, 0], sizes = [256, 1], strides = [1, 1]} : vector<2048x1xf32> to vector<256x1xf32>
    %slice3A_53 = vector.extract_strided_slice %add3A_23 {offsets = [0, 0], sizes = [256, 1], strides = [1, 1]} : vector<2048x1xf32> to vector<256x1xf32>
    %slice3A_54 = vector.extract_strided_slice %mul3A_26 {offsets = [0, 0], sizes = [256, 1], strides = [1, 1]} : vector<2048x1xf32> to vector<256x1xf32>
    %max3A = vector.broadcast %slice3A_50 : vector<256x1xf32> to vector<256x2048xf32>
    %max3A_55 = vector.broadcast %sub3A_34 : vector<1x2048xf32> to vector<256x2048xf32>
    %max3A_56 = arith.maximumf %max3A, %max3A_55 : vector<256x2048xf32>
    %max3A_57 = vector.broadcast %slice3A_51 : vector<256x1xf32> to vector<256x2048xf32>
    %max3A_58 = vector.broadcast %sub3A_38 : vector<1x2048xf32> to vector<256x2048xf32>
    %max3A_59 = arith.maximumf %max3A_57, %max3A_58 : vector<256x2048xf32>
    %min3A = vector.broadcast %slice3A_52 : vector<256x1xf32> to vector<256x2048xf32>
    %min3A_60 = vector.broadcast %add3A_42 : vector<1x2048xf32> to vector<256x2048xf32>
    %min3A_61 = arith.minimumf %min3A, %min3A_60 : vector<256x2048xf32>
    %min3A_62 = vector.broadcast %slice3A_53 : vector<256x1xf32> to vector<256x2048xf32>
    %min3A_63 = vector.broadcast %add3A_46 : vector<1x2048xf32> to vector<256x2048xf32>
    %min3A_64 = arith.minimumf %min3A_62, %min3A_63 : vector<256x2048xf32>
    %sub3A_65 = arith.subf %min3A_61, %max3A_56 : vector<256x2048xf32>
    %max3A_66 = arith.constant 0.000000e+00 : f32
    %max3A_67 = vector.broadcast %max3A_66 : f32 to vector<256x2048xf32>
    %max3A_68 = arith.maximumf %sub3A_65, %max3A_67 : vector<256x2048xf32>
    %sub3A_69 = arith.subf %min3A_64, %max3A_59 : vector<256x2048xf32>
    %max3A_70 = arith.constant 0.000000e+00 : f32
    %max3A_71 = vector.broadcast %max3A_70 : f32 to vector<256x2048xf32>
    %max3A_72 = arith.maximumf %sub3A_69, %max3A_71 : vector<256x2048xf32>
    %mul3A_73 = arith.mulf %max3A_68, %max3A_72 : vector<256x2048xf32>
    %add3A_74 = vector.broadcast %slice3A_54 : vector<256x1xf32> to vector<256x2048xf32>
    %add3A_75 = vector.broadcast %mul3A_49 : vector<1x2048xf32> to vector<256x2048xf32>
    %add3A_76 = arith.addf %add3A_74, %add3A_75 : vector<256x2048xf32>
    %sub3A_77 = arith.subf %add3A_76, %mul3A_73 : vector<256x2048xf32>
    %add3A_78 = arith.constant 9.99999993E-9 : f32
    %add3A_79 = vector.broadcast %add3A_78 : f32 to vector<256x2048xf32>
    %add3A_80 = arith.addf %sub3A_77, %add3A_79 : vector<256x2048xf32>
    %div3A = arith.divf %mul3A_73, %add3A_80 : vector<256x2048xf32>
    %iota3A = tpu.iota {dimensions = array<i32: 0>} : vector<256x2048xi32>
    %add3A_81 = arith.constant 0 : i32
    %add3A_82 = vector.broadcast %add3A_81 : i32 to vector<256x2048xi32>
    %add3A_83 = arith.addi %add3A_82, %iota3A : vector<256x2048xi32>
    %iota3A_84 = tpu.iota {dimensions = array<i32: 1>} : vector<256x2048xi32>
    %gt3A = arith.constant 0.699999988 : f32
    %gt3A_85 = vector.broadcast %gt3A : f32 to vector<256x2048xf32>
    %gt3A_86 = arith.cmpf ogt, %div3A, %gt3A_85 : vector<256x2048xf32>
    %lt3A = arith.cmpi slt, %add3A_83, %iota3A_84 : vector<256x2048xi32>
    %and3A = arith.andi %gt3A_86, %lt3A : vector<256x2048xi1>
    %convert_element_type3A = arith.extui %and3A : vector<256x2048xi1> to vector<256x2048xi32>
    %convert_element_type3A_87 = arith.sitofp %convert_element_type3A : vector<256x2048xi32> to vector<256x2048xf32>
    %convert_element_type3A_88 = arith.truncf %convert_element_type3A_87 : vector<256x2048xf32> to vector<256x2048xbf16>
    %swap3A = arith.constant 0 : index
    %swap3A_89 = arith.constant 0 : index
    %swap3A_90 = vector.load %arg4[%swap3A, %swap3A_89] : memref<2048x2048xbf16, #tpu.memory_space<vmem>>, vector<256x2048xbf16>
    tpu.vector_store %arg4[%swap3A, %swap3A_89], %convert_element_type3A_88 {strides = array<i32>} : memref<2048x2048xbf16, #tpu.memory_space<vmem>>, vector<256x2048xbf16>,
    %le3A = arith.cmpi sle, %add3A_83, %iota3A_84 : vector<256x2048xi32>
    %convert_element_type3A_91 = arith.extui %le3A : vector<256x2048xi1> to vector<256x2048xi32>
    %convert_element_type3A_92 = arith.sitofp %convert_element_type3A_91 : vector<256x2048xi32> to vector<256x2048xf32>
    %convert_element_type3A_93 = arith.truncf %convert_element_type3A_92 : vector<256x2048xf32> to vector<256x2048xbf16>
    %swap3A_94 = arith.constant 0 : index
    %swap3A_95 = arith.constant 0 : index
    %swap3A_96 = vector.load %arg5[%swap3A_94, %swap3A_95] : memref<2048x2048xbf16, #tpu.memory_space<vmem>>, vector<256x2048xbf16>
    tpu.vector_store %arg5[%swap3A_94, %swap3A_95], %convert_element_type3A_93 {strides = array<i32>} : memref<2048x2048xbf16, #tpu.memory_space<vmem>>, vector<256x2048xbf16>,
    %slice3A_97 = vector.extract_strided_slice %sub3A {offsets = [256, 0], sizes = [256, 1], strides = [1, 1]} : vector<2048x1xf32> to vector<256x1xf32>
    %slice3A_98 = vector.extract_strided_slice %sub3A_16 {offsets = [256, 0], sizes = [256, 1], strides = [1, 1]} : vector<2048x1xf32> to vector<256x1xf32>
    %slice3A_99 = vector.extract_strided_slice %add3A {offsets = [256, 0], sizes = [256, 1], strides = [1, 1]} : vector<2048x1xf32> to vector<256x1xf32>
    %slice3A_100 = vector.extract_strided_slice %add3A_23 {offsets = [256, 0], sizes = [256, 1], strides = [1, 1]} : vector<2048x1xf32> to vector<256x1xf32>
    %slice3A_101 = vector.extract_strided_slice %mul3A_26 {offsets = [256, 0], sizes = [256, 1], strides = [1, 1]} : vector<2048x1xf32> to vector<256x1xf32>
    %max3A_102 = vector.broadcast %slice3A_97 : vector<256x1xf32> to vector<256x2048xf32>
    %max3A_103 = vector.broadcast %sub3A_34 : vector<1x2048xf32> to vector<256x2048xf32>
    %max3A_104 = arith.maximumf %max3A_102, %max3A_103 : vector<256x2048xf32>
    %max3A_105 = vector.broadcast %slice3A_98 : vector<256x1xf32> to vector<256x2048xf32>
    %max3A_106 = vector.broadcast %sub3A_38 : vector<1x2048xf32> to vector<256x2048xf32>
    %max3A_107 = arith.maximumf %max3A_105, %max3A_106 : vector<256x2048xf32>
    %min3A_108 = vector.broadcast %slice3A_99 : vector<256x1xf32> to vector<256x2048xf32>
    %min3A_109 = vector.broadcast %add3A_42 : vector<1x2048xf32> to vector<256x2048xf32>
    %min3A_110 = arith.minimumf %min3A_108, %min3A_109 : vector<256x2048xf32>
    %min3A_111 = vector.broadcast %slice3A_100 : vector<256x1xf32> to vector<256x2048xf32>
    %min3A_112 = vector.broadcast %add3A_46 : vector<1x2048xf32> to vector<256x2048xf32>
    %min3A_113 = arith.minimumf %min3A_111, %min3A_112 : vector<256x2048xf32>
    %sub3A_114 = arith.subf %min3A_110, %max3A_104 : vector<256x2048xf32>
    %max3A_115 = arith.constant 0.000000e+00 : f32
    %max3A_116 = vector.broadcast %max3A_115 : f32 to vector<256x2048xf32>
    %max3A_117 = arith.maximumf %sub3A_114, %max3A_116 : vector<256x2048xf32>
    %sub3A_118 = arith.subf %min3A_113, %max3A_107 : vector<256x2048xf32>
    %max3A_119 = arith.constant 0.000000e+00 : f32
    %max3A_120 = vector.broadcast %max3A_119 : f32 to vector<256x2048xf32>
    %max3A_121 = arith.maximumf %sub3A_118, %max3A_120 : vector<256x2048xf32>
    %mul3A_122 = arith.mulf %max3A_117, %max3A_121 : vector<256x2048xf32>
    %add3A_123 = vector.broadcast %slice3A_101 : vector<256x1xf32> to vector<256x2048xf32>
    %add3A_124 = vector.broadcast %mul3A_49 : vector<1x2048xf32> to vector<256x2048xf32>
    %add3A_125 = arith.addf %add3A_123, %add3A_124 : vector<256x2048xf32>
    %sub3A_126 = arith.subf %add3A_125, %mul3A_122 : vector<256x2048xf32>
    %add3A_127 = arith.constant 9.99999993E-9 : f32
    %add3A_128 = vector.broadcast %add3A_127 : f32 to vector<256x2048xf32>
    %add3A_129 = arith.addf %sub3A_126, %add3A_128 : vector<256x2048xf32>
    %div3A_130 = arith.divf %mul3A_122, %add3A_129 : vector<256x2048xf32>
    %iota3A_131 = tpu.iota {dimensions = array<i32: 0>} : vector<256x2048xi32>
    %add3A_132 = arith.constant 256 : i32
    %add3A_133 = vector.broadcast %add3A_132 : i32 to vector<256x2048xi32>
    %add3A_134 = arith.addi %add3A_133, %iota3A_131 : vector<256x2048xi32>
    %iota3A_135 = tpu.iota {dimensions = array<i32: 1>} : vector<256x2048xi32>
    %gt3A_136 = arith.constant 0.699999988 : f32
    %gt3A_137 = vector.broadcast %gt3A_136 : f32 to vector<256x2048xf32>
    %gt3A_138 = arith.cmpf ogt, %div3A_130, %gt3A_137 : vector<256x2048xf32>
    %lt3A_139 = arith.cmpi slt, %add3A_134, %iota3A_135 : vector<256x2048xi32>
    %and3A_140 = arith.andi %gt3A_138, %lt3A_139 : vector<256x2048xi1>
    %convert_element_type3A_141 = arith.extui %and3A_140 : vector<256x2048xi1> to vector<256x2048xi32>
    %convert_element_type3A_142 = arith.sitofp %convert_element_type3A_141 : vector<256x2048xi32> to vector<256x2048xf32>
    %convert_element_type3A_143 = arith.truncf %convert_element_type3A_142 : vector<256x2048xf32> to vector<256x2048xbf16>
    %swap3A_144 = arith.constant 256 : index
    %swap3A_145 = arith.constant 0 : index
    %swap3A_146 = vector.load %arg4[%swap3A_144, %swap3A_145] : memref<2048x2048xbf16, #tpu.memory_space<vmem>>, vector<256x2048xbf16>
    tpu.vector_store %arg4[%swap3A_144, %swap3A_145], %convert_element_type3A_143 {strides = array<i32>} : memref<2048x2048xbf16, #tpu.memory_space<vmem>>, vector<256x2048xbf16>,
    %le3A_147 = arith.cmpi sle, %add3A_134, %iota3A_135 : vector<256x2048xi32>
    %convert_element_type3A_148 = arith.extui %le3A_147 : vector<256x2048xi1> to vector<256x2048xi32>
    %convert_element_type3A_149 = arith.sitofp %convert_element_type3A_148 : vector<256x2048xi32> to vector<256x2048xf32>
    %convert_element_type3A_150 = arith.truncf %convert_element_type3A_149 : vector<256x2048xf32> to vector<256x2048xbf16>
    %swap3A_151 = arith.constant 256 : index
    %swap3A_152 = arith.constant 0 : index
    %swap3A_153 = vector.load %arg5[%swap3A_151, %swap3A_152] : memref<2048x2048xbf16, #tpu.memory_space<vmem>>, vector<256x2048xbf16>
    tpu.vector_store %arg5[%swap3A_151, %swap3A_152], %convert_element_type3A_150 {strides = array<i32>} : memref<2048x2048xbf16, #tpu.memory_space<vmem>>, vector<256x2048xbf16>,
    %slice3A_154 = vector.extract_strided_slice %sub3A {offsets = [512, 0], sizes = [256, 1], strides = [1, 1]} : vector<2048x1xf32> to vector<256x1xf32>
    %slice3A_155 = vector.extract_strided_slice %sub3A_16 {offsets = [512, 0], sizes = [256, 1], strides = [1, 1]} : vector<2048x1xf32> to vector<256x1xf32>
    %slice3A_156 = vector.extract_strided_slice %add3A {offsets = [512, 0], sizes = [256, 1], strides = [1, 1]} : vector<2048x1xf32> to vector<256x1xf32>
    %slice3A_157 = vector.extract_strided_slice %add3A_23 {offsets = [512, 0], sizes = [256, 1], strides = [1, 1]} : vector<2048x1xf32> to vector<256x1xf32>
    %slice3A_158 = vector.extract_strided_slice %mul3A_26 {offsets = [512, 0], sizes = [256, 1], strides = [1, 1]} : vector<2048x1xf32> to vector<256x1xf32>
    %max3A_159 = vector.broadcast %slice3A_154 : vector<256x1xf32> to vector<256x2048xf32>
    %max3A_160 = vector.broadcast %sub3A_34 : vector<1x2048xf32> to vector<256x2048xf32>
    %max3A_161 = arith.maximumf %max3A_159, %max3A_160 : vector<256x2048xf32>
    %max3A_162 = vector.broadcast %slice3A_155 : vector<256x1xf32> to vector<256x2048xf32>
    %max3A_163 = vector.broadcast %sub3A_38 : vector<1x2048xf32> to vector<256x2048xf32>
    %max3A_164 = arith.maximumf %max3A_162, %max3A_163 : vector<256x2048xf32>
    %min3A_165 = vector.broadcast %slice3A_156 : vector<256x1xf32> to vector<256x2048xf32>
    %min3A_166 = vector.broadcast %add3A_42 : vector<1x2048xf32> to vector<256x2048xf32>
    %min3A_167 = arith.minimumf %min3A_165, %min3A_166 : vector<256x2048xf32>
    %min3A_168 = vector.broadcast %slice3A_157 : vector<256x1xf32> to vector<256x2048xf32>
    %min3A_169 = vector.broadcast %add3A_46 : vector<1x2048xf32> to vector<256x2048xf32>
    %min3A_170 = arith.minimumf %min3A_168, %min3A_169 : vector<256x2048xf32>
    %sub3A_171 = arith.subf %min3A_167, %max3A_161 : vector<256x2048xf32>
    %max3A_172 = arith.constant 0.000000e+00 : f32
    %max3A_173 = vector.broadcast %max3A_172 : f32 to vector<256x2048xf32>
    %max3A_174 = arith.maximumf %sub3A_171, %max3A_173 : vector<256x2048xf32>
    %sub3A_175 = arith.subf %min3A_170, %max3A_164 : vector<256x2048xf32>
    %max3A_176 = arith.constant 0.000000e+00 : f32
    %max3A_177 = vector.broadcast %max3A_176 : f32 to vector<256x2048xf32>
    %max3A_178 = arith.maximumf %sub3A_175, %max3A_177 : vector<256x2048xf32>
    %mul3A_179 = arith.mulf %max3A_174, %max3A_178 : vector<256x2048xf32>
    %add3A_180 = vector.broadcast %slice3A_158 : vector<256x1xf32> to vector<256x2048xf32>
    %add3A_181 = vector.broadcast %mul3A_49 : vector<1x2048xf32> to vector<256x2048xf32>
    %add3A_182 = arith.addf %add3A_180, %add3A_181 : vector<256x2048xf32>
    %sub3A_183 = arith.subf %add3A_182, %mul3A_179 : vector<256x2048xf32>
    %add3A_184 = arith.constant 9.99999993E-9 : f32
    %add3A_185 = vector.broadcast %add3A_184 : f32 to vector<256x2048xf32>
    %add3A_186 = arith.addf %sub3A_183, %add3A_185 : vector<256x2048xf32>
    %div3A_187 = arith.divf %mul3A_179, %add3A_186 : vector<256x2048xf32>
    %iota3A_188 = tpu.iota {dimensions = array<i32: 0>} : vector<256x2048xi32>
    %add3A_189 = arith.constant 512 : i32
    %add3A_190 = vector.broadcast %add3A_189 : i32 to vector<256x2048xi32>
    %add3A_191 = arith.addi %add3A_190, %iota3A_188 : vector<256x2048xi32>
    %iota3A_192 = tpu.iota {dimensions = array<i32: 1>} : vector<256x2048xi32>
    %gt3A_193 = arith.constant 0.699999988 : f32
    %gt3A_194 = vector.broadcast %gt3A_193 : f32 to vector<256x2048xf32>
    %gt3A_195 = arith.cmpf ogt, %div3A_187, %gt3A_194 : vector<256x2048xf32>
    %lt3A_196 = arith.cmpi slt, %add3A_191, %iota3A_192 : vector<256x2048xi32>
    %and3A_197 = arith.andi %gt3A_195, %lt3A_196 : vector<256x2048xi1>
    %convert_element_type3A_198 = arith.extui %and3A_197 : vector<256x2048xi1> to vector<256x2048xi32>
    %convert_element_type3A_199 = arith.sitofp %convert_element_type3A_198 : vector<256x2048xi32> to vector<256x2048xf32>
    %convert_element_type3A_200 = arith.truncf %convert_element_type3A_199 : vector<256x2048xf32> to vector<256x2048xbf16>
    %swap3A_201 = arith.constant 512 : index
    %swap3A_202 = arith.constant 0 : index
    %swap3A_203 = vector.load %arg4[%swap3A_201, %swap3A_202] : memref<2048x2048xbf16, #tpu.memory_space<vmem>>, vector<256x2048xbf16>
    tpu.vector_store %arg4[%swap3A_201, %swap3A_202], %convert_element_type3A_200 {strides = array<i32>} : memref<2048x2048xbf16, #tpu.memory_space<vmem>>, vector<256x2048xbf16>,
    %le3A_204 = arith.cmpi sle, %add3A_191, %iota3A_192 : vector<256x2048xi32>
    %convert_element_type3A_205 = arith.extui %le3A_204 : vector<256x2048xi1> to vector<256x2048xi32>
    %convert_element_type3A_206 = arith.sitofp %convert_element_type3A_205 : vector<256x2048xi32> to vector<256x2048xf32>
    %convert_element_type3A_207 = arith.truncf %convert_element_type3A_206 : vector<256x2048xf32> to vector<256x2048xbf16>
    %swap3A_208 = arith.constant 512 : index
    %swap3A_209 = arith.constant 0 : index
    %swap3A_210 = vector.load %arg5[%swap3A_208, %swap3A_209] : memref<2048x2048xbf16, #tpu.memory_space<vmem>>, vector<256x2048xbf16>
    tpu.vector_store %arg5[%swap3A_208, %swap3A_209], %convert_element_type3A_207 {strides = array<i32>} : memref<2048x2048xbf16, #tpu.memory_space<vmem>>, vector<256x2048xbf16>,
    %slice3A_211 = vector.extract_strided_slice %sub3A {offsets = [768, 0], sizes = [256, 1], strides = [1, 1]} : vector<2048x1xf32> to vector<256x1xf32>
    %slice3A_212 = vector.extract_strided_slice %sub3A_16 {offsets = [768, 0], sizes = [256, 1], strides = [1, 1]} : vector<2048x1xf32> to vector<256x1xf32>
    %slice3A_213 = vector.extract_strided_slice %add3A {offsets = [768, 0], sizes = [256, 1], strides = [1, 1]} : vector<2048x1xf32> to vector<256x1xf32>
    %slice3A_214 = vector.extract_strided_slice %add3A_23 {offsets = [768, 0], sizes = [256, 1], strides = [1, 1]} : vector<2048x1xf32> to vector<256x1xf32>
    %slice3A_215 = vector.extract_strided_slice %mul3A_26 {offsets = [768, 0], sizes = [256, 1], strides = [1, 1]} : vector<2048x1xf32> to vector<256x1xf32>
    %max3A_216 = vector.broadcast %slice3A_211 : vector<256x1xf32> to vector<256x2048xf32>
    %max3A_217 = vector.broadcast %sub3A_34 : vector<1x2048xf32> to vector<256x2048xf32>
    %max3A_218 = arith.maximumf %max3A_216, %max3A_217 : vector<256x2048xf32>
    %max3A_219 = vector.broadcast %slice3A_212 : vector<256x1xf32> to vector<256x2048xf32>
    %max3A_220 = vector.broadcast %sub3A_38 : vector<1x2048xf32> to vector<256x2048xf32>
    %max3A_221 = arith.maximumf %max3A_219, %max3A_220 : vector<256x2048xf32>
    %min3A_222 = vector.broadcast %slice3A_213 : vector<256x1xf32> to vector<256x2048xf32>
    %min3A_223 = vector.broadcast %add3A_42 : vector<1x2048xf32> to vector<256x2048xf32>
    %min3A_224 = arith.minimumf %min3A_222, %min3A_223 : vector<256x2048xf32>
    %min3A_225 = vector.broadcast %slice3A_214 : vector<256x1xf32> to vector<256x2048xf32>
    %min3A_226 = vector.broadcast %add3A_46 : vector<1x2048xf32> to vector<256x2048xf32>
    %min3A_227 = arith.minimumf %min3A_225, %min3A_226 : vector<256x2048xf32>
    %sub3A_228 = arith.subf %min3A_224, %max3A_218 : vector<256x2048xf32>
    %max3A_229 = arith.constant 0.000000e+00 : f32
    %max3A_230 = vector.broadcast %max3A_229 : f32 to vector<256x2048xf32>
    %max3A_231 = arith.maximumf %sub3A_228, %max3A_230 : vector<256x2048xf32>
    %sub3A_232 = arith.subf %min3A_227, %max3A_221 : vector<256x2048xf32>
    %max3A_233 = arith.constant 0.000000e+00 : f32
    %max3A_234 = vector.broadcast %max3A_233 : f32 to vector<256x2048xf32>
    %max3A_235 = arith.maximumf %sub3A_232, %max3A_234 : vector<256x2048xf32>
    %mul3A_236 = arith.mulf %max3A_231, %max3A_235 : vector<256x2048xf32>
    %add3A_237 = vector.broadcast %slice3A_215 : vector<256x1xf32> to vector<256x2048xf32>
    %add3A_238 = vector.broadcast %mul3A_49 : vector<1x2048xf32> to vector<256x2048xf32>
    %add3A_239 = arith.addf %add3A_237, %add3A_238 : vector<256x2048xf32>
    %sub3A_240 = arith.subf %add3A_239, %mul3A_236 : vector<256x2048xf32>
    %add3A_241 = arith.constant 9.99999993E-9 : f32
    %add3A_242 = vector.broadcast %add3A_241 : f32 to vector<256x2048xf32>
    %add3A_243 = arith.addf %sub3A_240, %add3A_242 : vector<256x2048xf32>
    %div3A_244 = arith.divf %mul3A_236, %add3A_243 : vector<256x2048xf32>
    %iota3A_245 = tpu.iota {dimensions = array<i32: 0>} : vector<256x2048xi32>
    %add3A_246 = arith.constant 768 : i32
    %add3A_247 = vector.broadcast %add3A_246 : i32 to vector<256x2048xi32>
    %add3A_248 = arith.addi %add3A_247, %iota3A_245 : vector<256x2048xi32>
    %iota3A_249 = tpu.iota {dimensions = array<i32: 1>} : vector<256x2048xi32>
    %gt3A_250 = arith.constant 0.699999988 : f32
    %gt3A_251 = vector.broadcast %gt3A_250 : f32 to vector<256x2048xf32>
    %gt3A_252 = arith.cmpf ogt, %div3A_244, %gt3A_251 : vector<256x2048xf32>
    %lt3A_253 = arith.cmpi slt, %add3A_248, %iota3A_249 : vector<256x2048xi32>
    %and3A_254 = arith.andi %gt3A_252, %lt3A_253 : vector<256x2048xi1>
    %convert_element_type3A_255 = arith.extui %and3A_254 : vector<256x2048xi1> to vector<256x2048xi32>
    %convert_element_type3A_256 = arith.sitofp %convert_element_type3A_255 : vector<256x2048xi32> to vector<256x2048xf32>
    %convert_element_type3A_257 = arith.truncf %convert_element_type3A_256 : vector<256x2048xf32> to vector<256x2048xbf16>
    %swap3A_258 = arith.constant 768 : index
    %swap3A_259 = arith.constant 0 : index
    %swap3A_260 = vector.load %arg4[%swap3A_258, %swap3A_259] : memref<2048x2048xbf16, #tpu.memory_space<vmem>>, vector<256x2048xbf16>
    tpu.vector_store %arg4[%swap3A_258, %swap3A_259], %convert_element_type3A_257 {strides = array<i32>} : memref<2048x2048xbf16, #tpu.memory_space<vmem>>, vector<256x2048xbf16>,
    %le3A_261 = arith.cmpi sle, %add3A_248, %iota3A_249 : vector<256x2048xi32>
    %convert_element_type3A_262 = arith.extui %le3A_261 : vector<256x2048xi1> to vector<256x2048xi32>
    %convert_element_type3A_263 = arith.sitofp %convert_element_type3A_262 : vector<256x2048xi32> to vector<256x2048xf32>
    %convert_element_type3A_264 = arith.truncf %convert_element_type3A_263 : vector<256x2048xf32> to vector<256x2048xbf16>
    %swap3A_265 = arith.constant 768 : index
    %swap3A_266 = arith.constant 0 : index
    %swap3A_267 = vector.load %arg5[%swap3A_265, %swap3A_266] : memref<2048x2048xbf16, #tpu.memory_space<vmem>>, vector<256x2048xbf16>
    tpu.vector_store %arg5[%swap3A_265, %swap3A_266], %convert_element_type3A_264 {strides = array<i32>} : memref<2048x2048xbf16, #tpu.memory_space<vmem>>, vector<256x2048xbf16>,
    %slice3A_268 = vector.extract_strided_slice %sub3A {offsets = [1024, 0], sizes = [256, 1], strides = [1, 1]} : vector<2048x1xf32> to vector<256x1xf32>
    %slice3A_269 = vector.extract_strided_slice %sub3A_16 {offsets = [1024, 0], sizes = [256, 1], strides = [1, 1]} : vector<2048x1xf32> to vector<256x1xf32>
    %slice3A_270 = vector.extract_strided_slice %add3A {offsets = [1024, 0], sizes = [256, 1], strides = [1, 1]} : vector<2048x1xf32> to vector<256x1xf32>
    %slice3A_271 = vector.extract_strided_slice %add3A_23 {offsets = [1024, 0], sizes = [256, 1], strides = [1, 1]} : vector<2048x1xf32> to vector<256x1xf32>
    %slice3A_272 = vector.extract_strided_slice %mul3A_26 {offsets = [1024, 0], sizes = [256, 1], strides = [1, 1]} : vector<2048x1xf32> to vector<256x1xf32>
    %max3A_273 = vector.broadcast %slice3A_268 : vector<256x1xf32> to vector<256x2048xf32>
    %max3A_274 = vector.broadcast %sub3A_34 : vector<1x2048xf32> to vector<256x2048xf32>
    %max3A_275 = arith.maximumf %max3A_273, %max3A_274 : vector<256x2048xf32>
    %max3A_276 = vector.broadcast %slice3A_269 : vector<256x1xf32> to vector<256x2048xf32>
    %max3A_277 = vector.broadcast %sub3A_38 : vector<1x2048xf32> to vector<256x2048xf32>
    %max3A_278 = arith.maximumf %max3A_276, %max3A_277 : vector<256x2048xf32>
    %min3A_279 = vector.broadcast %slice3A_270 : vector<256x1xf32> to vector<256x2048xf32>
    %min3A_280 = vector.broadcast %add3A_42 : vector<1x2048xf32> to vector<256x2048xf32>
    %min3A_281 = arith.minimumf %min3A_279, %min3A_280 : vector<256x2048xf32>
    %min3A_282 = vector.broadcast %slice3A_271 : vector<256x1xf32> to vector<256x2048xf32>
    %min3A_283 = vector.broadcast %add3A_46 : vector<1x2048xf32> to vector<256x2048xf32>
    %min3A_284 = arith.minimumf %min3A_282, %min3A_283 : vector<256x2048xf32>
    %sub3A_285 = arith.subf %min3A_281, %max3A_275 : vector<256x2048xf32>
    %max3A_286 = arith.constant 0.000000e+00 : f32
    %max3A_287 = vector.broadcast %max3A_286 : f32 to vector<256x2048xf32>
    %max3A_288 = arith.maximumf %sub3A_285, %max3A_287 : vector<256x2048xf32>
    %sub3A_289 = arith.subf %min3A_284, %max3A_278 : vector<256x2048xf32>
    %max3A_290 = arith.constant 0.000000e+00 : f32
    %max3A_291 = vector.broadcast %max3A_290 : f32 to vector<256x2048xf32>
    %max3A_292 = arith.maximumf %sub3A_289, %max3A_291 : vector<256x2048xf32>
    %mul3A_293 = arith.mulf %max3A_288, %max3A_292 : vector<256x2048xf32>
    %add3A_294 = vector.broadcast %slice3A_272 : vector<256x1xf32> to vector<256x2048xf32>
    %add3A_295 = vector.broadcast %mul3A_49 : vector<1x2048xf32> to vector<256x2048xf32>
    %add3A_296 = arith.addf %add3A_294, %add3A_295 : vector<256x2048xf32>
    %sub3A_297 = arith.subf %add3A_296, %mul3A_293 : vector<256x2048xf32>
    %add3A_298 = arith.constant 9.99999993E-9 : f32
    %add3A_299 = vector.broadcast %add3A_298 : f32 to vector<256x2048xf32>
    %add3A_300 = arith.addf %sub3A_297, %add3A_299 : vector<256x2048xf32>
    %div3A_301 = arith.divf %mul3A_293, %add3A_300 : vector<256x2048xf32>
    %iota3A_302 = tpu.iota {dimensions = array<i32: 0>} : vector<256x2048xi32>
    %add3A_303 = arith.constant 1024 : i32
    %add3A_304 = vector.broadcast %add3A_303 : i32 to vector<256x2048xi32>
    %add3A_305 = arith.addi %add3A_304, %iota3A_302 : vector<256x2048xi32>
    %iota3A_306 = tpu.iota {dimensions = array<i32: 1>} : vector<256x2048xi32>
    %gt3A_307 = arith.constant 0.699999988 : f32
    %gt3A_308 = vector.broadcast %gt3A_307 : f32 to vector<256x2048xf32>
    %gt3A_309 = arith.cmpf ogt, %div3A_301, %gt3A_308 : vector<256x2048xf32>
    %lt3A_310 = arith.cmpi slt, %add3A_305, %iota3A_306 : vector<256x2048xi32>
    %and3A_311 = arith.andi %gt3A_309, %lt3A_310 : vector<256x2048xi1>
    %convert_element_type3A_312 = arith.extui %and3A_311 : vector<256x2048xi1> to vector<256x2048xi32>
    %convert_element_type3A_313 = arith.sitofp %convert_element_type3A_312 : vector<256x2048xi32> to vector<256x2048xf32>
    %convert_element_type3A_314 = arith.truncf %convert_element_type3A_313 : vector<256x2048xf32> to vector<256x2048xbf16>
    %swap3A_315 = arith.constant 1024 : index
    %swap3A_316 = arith.constant 0 : index
    %swap3A_317 = vector.load %arg4[%swap3A_315, %swap3A_316] : memref<2048x2048xbf16, #tpu.memory_space<vmem>>, vector<256x2048xbf16>
    tpu.vector_store %arg4[%swap3A_315, %swap3A_316], %convert_element_type3A_314 {strides = array<i32>} : memref<2048x2048xbf16, #tpu.memory_space<vmem>>, vector<256x2048xbf16>,
    %le3A_318 = arith.cmpi sle, %add3A_305, %iota3A_306 : vector<256x2048xi32>
    %convert_element_type3A_319 = arith.extui %le3A_318 : vector<256x2048xi1> to vector<256x2048xi32>
    %convert_element_type3A_320 = arith.sitofp %convert_element_type3A_319 : vector<256x2048xi32> to vector<256x2048xf32>
    %convert_element_type3A_321 = arith.truncf %convert_element_type3A_320 : vector<256x2048xf32> to vector<256x2048xbf16>
    %swap3A_322 = arith.constant 1024 : index
    %swap3A_323 = arith.constant 0 : index
    %swap3A_324 = vector.load %arg5[%swap3A_322, %swap3A_323] : memref<2048x2048xbf16, #tpu.memory_space<vmem>>, vector<256x2048xbf16>
    tpu.vector_store %arg5[%swap3A_322, %swap3A_323], %convert_element_type3A_321 {strides = array<i32>} : memref<2048x2048xbf16, #tpu.memory_space<vmem>>, vector<256x2048xbf16>,
    %slice3A_325 = vector.extract_strided_slice %sub3A {offsets = [1280, 0], sizes = [256, 1], strides = [1, 1]} : vector<2048x1xf32> to vector<256x1xf32>
    %slice3A_326 = vector.extract_strided_slice %sub3A_16 {offsets = [1280, 0], sizes = [256, 1], strides = [1, 1]} : vector<2048x1xf32> to vector<256x1xf32>
    %slice3A_327 = vector.extract_strided_slice %add3A {offsets = [1280, 0], sizes = [256, 1], strides = [1, 1]} : vector<2048x1xf32> to vector<256x1xf32>
    %slice3A_328 = vector.extract_strided_slice %add3A_23 {offsets = [1280, 0], sizes = [256, 1], strides = [1, 1]} : vector<2048x1xf32> to vector<256x1xf32>
    %slice3A_329 = vector.extract_strided_slice %mul3A_26 {offsets = [1280, 0], sizes = [256, 1], strides = [1, 1]} : vector<2048x1xf32> to vector<256x1xf32>
    %max3A_330 = vector.broadcast %slice3A_325 : vector<256x1xf32> to vector<256x2048xf32>
    %max3A_331 = vector.broadcast %sub3A_34 : vector<1x2048xf32> to vector<256x2048xf32>
    %max3A_332 = arith.maximumf %max3A_330, %max3A_331 : vector<256x2048xf32>
    %max3A_333 = vector.broadcast %slice3A_326 : vector<256x1xf32> to vector<256x2048xf32>
    %max3A_334 = vector.broadcast %sub3A_38 : vector<1x2048xf32> to vector<256x2048xf32>
    %max3A_335 = arith.maximumf %max3A_333, %max3A_334 : vector<256x2048xf32>
    %min3A_336 = vector.broadcast %slice3A_327 : vector<256x1xf32> to vector<256x2048xf32>
    %min3A_337 = vector.broadcast %add3A_42 : vector<1x2048xf32> to vector<256x2048xf32>
    %min3A_338 = arith.minimumf %min3A_336, %min3A_337 : vector<256x2048xf32>
    %min3A_339 = vector.broadcast %slice3A_328 : vector<256x1xf32> to vector<256x2048xf32>
    %min3A_340 = vector.broadcast %add3A_46 : vector<1x2048xf32> to vector<256x2048xf32>
    %min3A_341 = arith.minimumf %min3A_339, %min3A_340 : vector<256x2048xf32>
    %sub3A_342 = arith.subf %min3A_338, %max3A_332 : vector<256x2048xf32>
    %max3A_343 = arith.constant 0.000000e+00 : f32
    %max3A_344 = vector.broadcast %max3A_343 : f32 to vector<256x2048xf32>
    %max3A_345 = arith.maximumf %sub3A_342, %max3A_344 : vector<256x2048xf32>
    %sub3A_346 = arith.subf %min3A_341, %max3A_335 : vector<256x2048xf32>
    %max3A_347 = arith.constant 0.000000e+00 : f32
    %max3A_348 = vector.broadcast %max3A_347 : f32 to vector<256x2048xf32>
    %max3A_349 = arith.maximumf %sub3A_346, %max3A_348 : vector<256x2048xf32>
    %mul3A_350 = arith.mulf %max3A_345, %max3A_349 : vector<256x2048xf32>
    %add3A_351 = vector.broadcast %slice3A_329 : vector<256x1xf32> to vector<256x2048xf32>
    %add3A_352 = vector.broadcast %mul3A_49 : vector<1x2048xf32> to vector<256x2048xf32>
    %add3A_353 = arith.addf %add3A_351, %add3A_352 : vector<256x2048xf32>
    %sub3A_354 = arith.subf %add3A_353, %mul3A_350 : vector<256x2048xf32>
    %add3A_355 = arith.constant 9.99999993E-9 : f32
    %add3A_356 = vector.broadcast %add3A_355 : f32 to vector<256x2048xf32>
    %add3A_357 = arith.addf %sub3A_354, %add3A_356 : vector<256x2048xf32>
    %div3A_358 = arith.divf %mul3A_350, %add3A_357 : vector<256x2048xf32>
    %iota3A_359 = tpu.iota {dimensions = array<i32: 0>} : vector<256x2048xi32>
    %add3A_360 = arith.constant 1280 : i32
    %add3A_361 = vector.broadcast %add3A_360 : i32 to vector<256x2048xi32>
    %add3A_362 = arith.addi %add3A_361, %iota3A_359 : vector<256x2048xi32>
    %iota3A_363 = tpu.iota {dimensions = array<i32: 1>} : vector<256x2048xi32>
    %gt3A_364 = arith.constant 0.699999988 : f32
    %gt3A_365 = vector.broadcast %gt3A_364 : f32 to vector<256x2048xf32>
    %gt3A_366 = arith.cmpf ogt, %div3A_358, %gt3A_365 : vector<256x2048xf32>
    %lt3A_367 = arith.cmpi slt, %add3A_362, %iota3A_363 : vector<256x2048xi32>
    %and3A_368 = arith.andi %gt3A_366, %lt3A_367 : vector<256x2048xi1>
    %convert_element_type3A_369 = arith.extui %and3A_368 : vector<256x2048xi1> to vector<256x2048xi32>
    %convert_element_type3A_370 = arith.sitofp %convert_element_type3A_369 : vector<256x2048xi32> to vector<256x2048xf32>
    %convert_element_type3A_371 = arith.truncf %convert_element_type3A_370 : vector<256x2048xf32> to vector<256x2048xbf16>
    %swap3A_372 = arith.constant 1280 : index
    %swap3A_373 = arith.constant 0 : index
    %swap3A_374 = vector.load %arg4[%swap3A_372, %swap3A_373] : memref<2048x2048xbf16, #tpu.memory_space<vmem>>, vector<256x2048xbf16>
    tpu.vector_store %arg4[%swap3A_372, %swap3A_373], %convert_element_type3A_371 {strides = array<i32>} : memref<2048x2048xbf16, #tpu.memory_space<vmem>>, vector<256x2048xbf16>,
    %le3A_375 = arith.cmpi sle, %add3A_362, %iota3A_363 : vector<256x2048xi32>
    %convert_element_type3A_376 = arith.extui %le3A_375 : vector<256x2048xi1> to vector<256x2048xi32>
    %convert_element_type3A_377 = arith.sitofp %convert_element_type3A_376 : vector<256x2048xi32> to vector<256x2048xf32>
    %convert_element_type3A_378 = arith.truncf %convert_element_type3A_377 : vector<256x2048xf32> to vector<256x2048xbf16>
    %swap3A_379 = arith.constant 1280 : index
    %swap3A_380 = arith.constant 0 : index
    %swap3A_381 = vector.load %arg5[%swap3A_379, %swap3A_380] : memref<2048x2048xbf16, #tpu.memory_space<vmem>>, vector<256x2048xbf16>
    tpu.vector_store %arg5[%swap3A_379, %swap3A_380], %convert_element_type3A_378 {strides = array<i32>} : memref<2048x2048xbf16, #tpu.memory_space<vmem>>, vector<256x2048xbf16>,
    %slice3A_382 = vector.extract_strided_slice %sub3A {offsets = [1536, 0], sizes = [256, 1], strides = [1, 1]} : vector<2048x1xf32> to vector<256x1xf32>
    %slice3A_383 = vector.extract_strided_slice %sub3A_16 {offsets = [1536, 0], sizes = [256, 1], strides = [1, 1]} : vector<2048x1xf32> to vector<256x1xf32>
    %slice3A_384 = vector.extract_strided_slice %add3A {offsets = [1536, 0], sizes = [256, 1], strides = [1, 1]} : vector<2048x1xf32> to vector<256x1xf32>
    %slice3A_385 = vector.extract_strided_slice %add3A_23 {offsets = [1536, 0], sizes = [256, 1], strides = [1, 1]} : vector<2048x1xf32> to vector<256x1xf32>
    %slice3A_386 = vector.extract_strided_slice %mul3A_26 {offsets = [1536, 0], sizes = [256, 1], strides = [1, 1]} : vector<2048x1xf32> to vector<256x1xf32>
    %max3A_387 = vector.broadcast %slice3A_382 : vector<256x1xf32> to vector<256x2048xf32>
    %max3A_388 = vector.broadcast %sub3A_34 : vector<1x2048xf32> to vector<256x2048xf32>
    %max3A_389 = arith.maximumf %max3A_387, %max3A_388 : vector<256x2048xf32>
    %max3A_390 = vector.broadcast %slice3A_383 : vector<256x1xf32> to vector<256x2048xf32>
    %max3A_391 = vector.broadcast %sub3A_38 : vector<1x2048xf32> to vector<256x2048xf32>
    %max3A_392 = arith.maximumf %max3A_390, %max3A_391 : vector<256x2048xf32>
    %min3A_393 = vector.broadcast %slice3A_384 : vector<256x1xf32> to vector<256x2048xf32>
    %min3A_394 = vector.broadcast %add3A_42 : vector<1x2048xf32> to vector<256x2048xf32>
    %min3A_395 = arith.minimumf %min3A_393, %min3A_394 : vector<256x2048xf32>
    %min3A_396 = vector.broadcast %slice3A_385 : vector<256x1xf32> to vector<256x2048xf32>
    %min3A_397 = vector.broadcast %add3A_46 : vector<1x2048xf32> to vector<256x2048xf32>
    %min3A_398 = arith.minimumf %min3A_396, %min3A_397 : vector<256x2048xf32>
    %sub3A_399 = arith.subf %min3A_395, %max3A_389 : vector<256x2048xf32>
    %max3A_400 = arith.constant 0.000000e+00 : f32
    %max3A_401 = vector.broadcast %max3A_400 : f32 to vector<256x2048xf32>
    %max3A_402 = arith.maximumf %sub3A_399, %max3A_401 : vector<256x2048xf32>
    %sub3A_403 = arith.subf %min3A_398, %max3A_392 : vector<256x2048xf32>
    %max3A_404 = arith.constant 0.000000e+00 : f32
    %max3A_405 = vector.broadcast %max3A_404 : f32 to vector<256x2048xf32>
    %max3A_406 = arith.maximumf %sub3A_403, %max3A_405 : vector<256x2048xf32>
    %mul3A_407 = arith.mulf %max3A_402, %max3A_406 : vector<256x2048xf32>
    %add3A_408 = vector.broadcast %slice3A_386 : vector<256x1xf32> to vector<256x2048xf32>
    %add3A_409 = vector.broadcast %mul3A_49 : vector<1x2048xf32> to vector<256x2048xf32>
    %add3A_410 = arith.addf %add3A_408, %add3A_409 : vector<256x2048xf32>
    %sub3A_411 = arith.subf %add3A_410, %mul3A_407 : vector<256x2048xf32>
    %add3A_412 = arith.constant 9.99999993E-9 : f32
    %add3A_413 = vector.broadcast %add3A_412 : f32 to vector<256x2048xf32>
    %add3A_414 = arith.addf %sub3A_411, %add3A_413 : vector<256x2048xf32>
    %div3A_415 = arith.divf %mul3A_407, %add3A_414 : vector<256x2048xf32>
    %iota3A_416 = tpu.iota {dimensions = array<i32: 0>} : vector<256x2048xi32>
    %add3A_417 = arith.constant 1536 : i32
    %add3A_418 = vector.broadcast %add3A_417 : i32 to vector<256x2048xi32>
    %add3A_419 = arith.addi %add3A_418, %iota3A_416 : vector<256x2048xi32>
    %iota3A_420 = tpu.iota {dimensions = array<i32: 1>} : vector<256x2048xi32>
    %gt3A_421 = arith.constant 0.699999988 : f32
    %gt3A_422 = vector.broadcast %gt3A_421 : f32 to vector<256x2048xf32>
    %gt3A_423 = arith.cmpf ogt, %div3A_415, %gt3A_422 : vector<256x2048xf32>
    %lt3A_424 = arith.cmpi slt, %add3A_419, %iota3A_420 : vector<256x2048xi32>
    %and3A_425 = arith.andi %gt3A_423, %lt3A_424 : vector<256x2048xi1>
    %convert_element_type3A_426 = arith.extui %and3A_425 : vector<256x2048xi1> to vector<256x2048xi32>
    %convert_element_type3A_427 = arith.sitofp %convert_element_type3A_426 : vector<256x2048xi32> to vector<256x2048xf32>
    %convert_element_type3A_428 = arith.truncf %convert_element_type3A_427 : vector<256x2048xf32> to vector<256x2048xbf16>
    %swap3A_429 = arith.constant 1536 : index
    %swap3A_430 = arith.constant 0 : index
    %swap3A_431 = vector.load %arg4[%swap3A_429, %swap3A_430] : memref<2048x2048xbf16, #tpu.memory_space<vmem>>, vector<256x2048xbf16>
    tpu.vector_store %arg4[%swap3A_429, %swap3A_430], %convert_element_type3A_428 {strides = array<i32>} : memref<2048x2048xbf16, #tpu.memory_space<vmem>>, vector<256x2048xbf16>,
    %le3A_432 = arith.cmpi sle, %add3A_419, %iota3A_420 : vector<256x2048xi32>
    %convert_element_type3A_433 = arith.extui %le3A_432 : vector<256x2048xi1> to vector<256x2048xi32>
    %convert_element_type3A_434 = arith.sitofp %convert_element_type3A_433 : vector<256x2048xi32> to vector<256x2048xf32>
    %convert_element_type3A_435 = arith.truncf %convert_element_type3A_434 : vector<256x2048xf32> to vector<256x2048xbf16>
    %swap3A_436 = arith.constant 1536 : index
    %swap3A_437 = arith.constant 0 : index
    %swap3A_438 = vector.load %arg5[%swap3A_436, %swap3A_437] : memref<2048x2048xbf16, #tpu.memory_space<vmem>>, vector<256x2048xbf16>
    tpu.vector_store %arg5[%swap3A_436, %swap3A_437], %convert_element_type3A_435 {strides = array<i32>} : memref<2048x2048xbf16, #tpu.memory_space<vmem>>, vector<256x2048xbf16>,
    %slice3A_439 = vector.extract_strided_slice %sub3A {offsets = [1792, 0], sizes = [256, 1], strides = [1, 1]} : vector<2048x1xf32> to vector<256x1xf32>
    %slice3A_440 = vector.extract_strided_slice %sub3A_16 {offsets = [1792, 0], sizes = [256, 1], strides = [1, 1]} : vector<2048x1xf32> to vector<256x1xf32>
    %slice3A_441 = vector.extract_strided_slice %add3A {offsets = [1792, 0], sizes = [256, 1], strides = [1, 1]} : vector<2048x1xf32> to vector<256x1xf32>
    %slice3A_442 = vector.extract_strided_slice %add3A_23 {offsets = [1792, 0], sizes = [256, 1], strides = [1, 1]} : vector<2048x1xf32> to vector<256x1xf32>
    %slice3A_443 = vector.extract_strided_slice %mul3A_26 {offsets = [1792, 0], sizes = [256, 1], strides = [1, 1]} : vector<2048x1xf32> to vector<256x1xf32>
    %max3A_444 = vector.broadcast %slice3A_439 : vector<256x1xf32> to vector<256x2048xf32>
    %max3A_445 = vector.broadcast %sub3A_34 : vector<1x2048xf32> to vector<256x2048xf32>
    %max3A_446 = arith.maximumf %max3A_444, %max3A_445 : vector<256x2048xf32>
    %max3A_447 = vector.broadcast %slice3A_440 : vector<256x1xf32> to vector<256x2048xf32>
    %max3A_448 = vector.broadcast %sub3A_38 : vector<1x2048xf32> to vector<256x2048xf32>
    %max3A_449 = arith.maximumf %max3A_447, %max3A_448 : vector<256x2048xf32>
    %min3A_450 = vector.broadcast %slice3A_441 : vector<256x1xf32> to vector<256x2048xf32>
    %min3A_451 = vector.broadcast %add3A_42 : vector<1x2048xf32> to vector<256x2048xf32>
    %min3A_452 = arith.minimumf %min3A_450, %min3A_451 : vector<256x2048xf32>
    %min3A_453 = vector.broadcast %slice3A_442 : vector<256x1xf32> to vector<256x2048xf32>
    %min3A_454 = vector.broadcast %add3A_46 : vector<1x2048xf32> to vector<256x2048xf32>
    %min3A_455 = arith.minimumf %min3A_453, %min3A_454 : vector<256x2048xf32>
    %sub3A_456 = arith.subf %min3A_452, %max3A_446 : vector<256x2048xf32>
    %max3A_457 = arith.constant 0.000000e+00 : f32
    %max3A_458 = vector.broadcast %max3A_457 : f32 to vector<256x2048xf32>
    %max3A_459 = arith.maximumf %sub3A_456, %max3A_458 : vector<256x2048xf32>
    %sub3A_460 = arith.subf %min3A_455, %max3A_449 : vector<256x2048xf32>
    %max3A_461 = arith.constant 0.000000e+00 : f32
    %max3A_462 = vector.broadcast %max3A_461 : f32 to vector<256x2048xf32>
    %max3A_463 = arith.maximumf %sub3A_460, %max3A_462 : vector<256x2048xf32>
    %mul3A_464 = arith.mulf %max3A_459, %max3A_463 : vector<256x2048xf32>
    %add3A_465 = vector.broadcast %slice3A_443 : vector<256x1xf32> to vector<256x2048xf32>
    %add3A_466 = vector.broadcast %mul3A_49 : vector<1x2048xf32> to vector<256x2048xf32>
    %add3A_467 = arith.addf %add3A_465, %add3A_466 : vector<256x2048xf32>
    %sub3A_468 = arith.subf %add3A_467, %mul3A_464 : vector<256x2048xf32>
    %add3A_469 = arith.constant 9.99999993E-9 : f32
    %add3A_470 = vector.broadcast %add3A_469 : f32 to vector<256x2048xf32>
    %add3A_471 = arith.addf %sub3A_468, %add3A_470 : vector<256x2048xf32>
    %div3A_472 = arith.divf %mul3A_464, %add3A_471 : vector<256x2048xf32>
    %iota3A_473 = tpu.iota {dimensions = array<i32: 0>} : vector<256x2048xi32>
    %add3A_474 = arith.constant 1792 : i32
    %add3A_475 = vector.broadcast %add3A_474 : i32 to vector<256x2048xi32>
    %add3A_476 = arith.addi %add3A_475, %iota3A_473 : vector<256x2048xi32>
    %iota3A_477 = tpu.iota {dimensions = array<i32: 1>} : vector<256x2048xi32>
    %gt3A_478 = arith.constant 0.699999988 : f32
    %gt3A_479 = vector.broadcast %gt3A_478 : f32 to vector<256x2048xf32>
    %gt3A_480 = arith.cmpf ogt, %div3A_472, %gt3A_479 : vector<256x2048xf32>
    %lt3A_481 = arith.cmpi slt, %add3A_476, %iota3A_477 : vector<256x2048xi32>
    %and3A_482 = arith.andi %gt3A_480, %lt3A_481 : vector<256x2048xi1>
    %convert_element_type3A_483 = arith.extui %and3A_482 : vector<256x2048xi1> to vector<256x2048xi32>
    %convert_element_type3A_484 = arith.sitofp %convert_element_type3A_483 : vector<256x2048xi32> to vector<256x2048xf32>
    %convert_element_type3A_485 = arith.truncf %convert_element_type3A_484 : vector<256x2048xf32> to vector<256x2048xbf16>
    %swap3A_486 = arith.constant 1792 : index
    %swap3A_487 = arith.constant 0 : index
    %swap3A_488 = vector.load %arg4[%swap3A_486, %swap3A_487] : memref<2048x2048xbf16, #tpu.memory_space<vmem>>, vector<256x2048xbf16>
    tpu.vector_store %arg4[%swap3A_486, %swap3A_487], %convert_element_type3A_485 {strides = array<i32>} : memref<2048x2048xbf16, #tpu.memory_space<vmem>>, vector<256x2048xbf16>,
    %le3A_489 = arith.cmpi sle, %add3A_476, %iota3A_477 : vector<256x2048xi32>
    %convert_element_type3A_490 = arith.extui %le3A_489 : vector<256x2048xi1> to vector<256x2048xi32>
    %convert_element_type3A_491 = arith.sitofp %convert_element_type3A_490 : vector<256x2048xi32> to vector<256x2048xf32>
    %convert_element_type3A_492 = arith.truncf %convert_element_type3A_491 : vector<256x2048xf32> to vector<256x2048xbf16>
    %swap3A_493 = arith.constant 1792 : index
    %swap3A_494 = arith.constant 0 : index
    %swap3A_495 = vector.load %arg5[%swap3A_493, %swap3A_494] : memref<2048x2048xbf16, #tpu.memory_space<vmem>>, vector<256x2048xbf16>
    tpu.vector_store %arg5[%swap3A_493, %swap3A_494], %convert_element_type3A_492 {strides = array<i32>} : memref<2048x2048xbf16, #tpu.memory_space<vmem>>, vector<256x2048xbf16>,
    %get3A_496 = arith.constant 0 : index
    %get3A_497 = arith.constant 0 : index
    %get3A_498 = vector.load %arg4[%get3A_496, %get3A_497] : memref<2048x2048xbf16, #tpu.memory_space<vmem>>, vector<2048x2048xbf16>
    %broadcast_in_dim3A = arith.constant 1.000000e+00 : f32
    %broadcast_in_dim3A_499 = vector.broadcast %broadcast_in_dim3A : f32 to vector<1x2048xf32>
    %while3A = arith.constant true
    %while3A_500:2 = scf.while (%while3A_615 = %while3A, %while3A_616 = %broadcast_in_dim3A_499) : (i1, vector<1x2048xf32>) -> (i1, vector<1x2048xf32>) {
      scf.condition(%while3A_615) %while3A_615, %while3A_616 : i1, vector<1x2048xf32>
    } do {
    ^bb0(%while3A_615: i1, %while3A_616: vector<1x2048xf32>):
      %convert_element_type3A_617 = arith.truncf %while3A_616 : vector<1x2048xf32> to vector<1x2048xbf16>
      %dot_general3A_618 = arith.constant dense<0.000000e+00> : vector<1x2048xf32>
      %dot_general3A_619 = tpu.matmul %convert_element_type3A_617, %get3A_498, %dot_general3A_618 {dimension_numbers = #tpu.dot_dimension_numbers<[1], [0], [0], [1], [0, 0, 1, 1], [], []>, transpose_lhs_hint = false} : vector<1x2048xbf16>, vector<2048x2048xbf16>, vector<1x2048xf32> -> vector<1x2048xf32>
      %gt3A_620 = arith.constant 5.000000e-01 : f32
      %gt3A_621 = vector.broadcast %gt3A_620 : f32 to vector<1x2048xf32>
      %gt3A_622 = arith.cmpf ogt, %dot_general3A_619, %gt3A_621 : vector<1x2048xf32>
      %jit3A_623 = arith.constant 0.000000e+00 : f32
      %jit3A_624 = arith.constant 1.000000e+00 : f32
      %broadcast_in_dim3A_625 = vector.broadcast %jit3A_623 : f32 to vector<1x2048xf32>
      %broadcast_in_dim3A_626 = vector.broadcast %jit3A_624 : f32 to vector<1x2048xf32>
      %select_n3A_627 = arith.select %gt3A_622, %broadcast_in_dim3A_625, %broadcast_in_dim3A_626 : vector<1x2048xi1>, vector<1x2048xf32>
      %ne3A = arith.cmpf one, %select_n3A_627, %while3A_616 : vector<1x2048xf32>
      %reduce_or3A = arith.constant 1.000000e+00 : f32
      %reduce_or3A_628 = arith.constant 0.000000e+00 : f32
      %reduce_or3A_629 = vector.broadcast %reduce_or3A : f32 to vector<1x2048xf32>
      %reduce_or3A_630 = vector.broadcast %reduce_or3A_628 : f32 to vector<1x2048xf32>
      %reduce_or3A_631 = arith.select %ne3A, %reduce_or3A_629, %reduce_or3A_630 : vector<1x2048xi1>, vector<1x2048xf32>
      %reduce_or3A_632 = vector.shape_cast %reduce_or3A_631 : vector<1x2048xf32> to vector<1x1x2048xf32>
      %reduce_or3A_633 = arith.constant dense<0xFF800000> : vector<1xf32>
      %reduce_or3A_634 = vector.multi_reduction <maximumf>, %reduce_or3A_632, %reduce_or3A_633 [1, 2] : vector<1x1x2048xf32> to vector<1xf32>
      %reduce_or3A_635 = vector.shape_cast %reduce_or3A_634 : vector<1xf32> to vector<1x1x1xf32>
      %reduce_or3A_636 = vector.extract %reduce_or3A_635[0, 0, 0] : f32 from vector<1x1x1xf32>
      %reduce_or3A_637 = arith.constant 0.000000e+00 : f32
      %reduce_or3A_638 = arith.cmpf ogt, %reduce_or3A_636, %reduce_or3A_637 : f32
      scf.yield %reduce_or3A_638, %select_n3A_627 : i1, vector<1x2048xf32>
    }
    %gt3A_501 = arith.constant 5.000000e-01 : f32
    %gt3A_502 = vector.broadcast %gt3A_501 : f32 to vector<1x2048xf32>
    %gt3A_503 = arith.cmpf ogt, %while3A_500#1, %gt3A_502 : vector<1x2048xf32>
    %ge3A = arith.constant 1.000000e-01 : f32
    %ge3A_504 = vector.broadcast %ge3A : f32 to vector<1x2048xf32>
    %ge3A_505 = arith.cmpf oge, %get3A_7, %ge3A_504 : vector<1x2048xf32>
    %and3A_506 = arith.andi %gt3A_503, %ge3A_505 : vector<1x2048xi1>
    %jit3A = arith.constant -1.000000e+00 : f32
    %broadcast_in_dim3A_507 = vector.broadcast %jit3A : f32 to vector<1x2048xf32>
    %select_n3A = arith.select %and3A_506, %get3A_7, %broadcast_in_dim3A_507 : vector<1x2048xi1>, vector<1x2048xf32>
    %convert_element_type3A_508 = arith.extui %and3A_506 : vector<1x2048xi1> to vector<1x2048xi32>
    %convert_element_type3A_509 = arith.sitofp %convert_element_type3A_508 : vector<1x2048xi32> to vector<1x2048xf32>
    %convert_element_type3A_510 = arith.truncf %convert_element_type3A_509 : vector<1x2048xf32> to vector<1x2048xbf16>
    %get3A_511 = arith.constant 0 : index
    %get3A_512 = arith.constant 0 : index
    %get3A_513 = vector.load %arg5[%get3A_511, %get3A_512] : memref<2048x2048xbf16, #tpu.memory_space<vmem>>, vector<2048x2048xbf16>
    %dot_general3A = arith.constant dense<0.000000e+00> : vector<1x2048xf32>
    %dot_general3A_514 = tpu.matmul %convert_element_type3A_510, %get3A_513, %dot_general3A {dimension_numbers = #tpu.dot_dimension_numbers<[1], [0], [0], [1], [0, 0, 1, 1], [], []>, transpose_lhs_hint = false} : vector<1x2048xbf16>, vector<2048x2048xbf16>, vector<1x2048xf32> -> vector<1x2048xf32>
    %convert_element_type3A_515 = arith.extui %and3A_506 : vector<1x2048xi1> to vector<1x2048xi32>
    %convert_element_type3A_516 = arith.sitofp %convert_element_type3A_515 : vector<1x2048xi32> to vector<1x2048xf32>
    %reduce_sum3A = vector.shape_cast %convert_element_type3A_516 : vector<1x2048xf32> to vector<1x1x2048xf32>
    %reduce_sum3A_517 = arith.constant dense<0.000000e+00> : vector<1xf32>
    %reduce_sum3A_518 = vector.multi_reduction <add>, %reduce_sum3A, %reduce_sum3A_517 [1, 2] : vector<1x1x2048xf32> to vector<1xf32>
    %reduce_sum3A_519 = vector.shape_cast %reduce_sum3A_518 : vector<1xf32> to vector<1x1x1xf32>
    %reduce_sum3A_520 = vector.extract %reduce_sum3A_519[0, 0, 0] : f32 from vector<1x1x1xf32>
    %iota3A_521 = tpu.iota {dimensions = array<i32: 1>} : vector<1x2048xi32>
    %convert_element_type3A_522 = arith.sitofp %iota3A_521 : vector<1x2048xi32> to vector<1x2048xf32>
    %sub3A_523 = arith.constant 1.000000e+00 : f32
    %sub3A_524 = vector.broadcast %sub3A_523 : f32 to vector<1x2048xf32>
    %sub3A_525 = arith.subf %dot_general3A_514, %sub3A_524 : vector<1x2048xf32>
    %add3A_526 = vector.broadcast %reduce_sum3A_520 : f32 to vector<1x2048xf32>
    %add3A_527 = arith.addf %add3A_526, %convert_element_type3A_522 : vector<1x2048xf32>
    %sub3A_528 = arith.subf %add3A_527, %dot_general3A_514 : vector<1x2048xf32>
    %select_n3A_529 = arith.select %and3A_506, %sub3A_525, %sub3A_528 : vector<1x2048xi1>, vector<1x2048xf32>
    %iota3A_530 = tpu.iota {dimensions = array<i32: 0>} : vector<512x2048xi32>
    %convert_element_type3A_531 = arith.sitofp %iota3A_530 : vector<512x2048xi32> to vector<512x2048xf32>
    %eq3A = vector.broadcast %select_n3A_529 : vector<1x2048xf32> to vector<512x2048xf32>
    %eq3A_532 = arith.cmpf oeq, %convert_element_type3A_531, %eq3A : vector<512x2048xf32>
    %convert_element_type3A_533 = arith.extui %eq3A_532 : vector<512x2048xi1> to vector<512x2048xi32>
    %convert_element_type3A_534 = arith.sitofp %convert_element_type3A_533 : vector<512x2048xi32> to vector<512x2048xf32>
    %slice3A_535 = vector.extract_strided_slice %get3A_4 {offsets = [0, 0], sizes = [1, 2048], strides = [1, 1]} : vector<4x2048xf32> to vector<1x2048xf32>
    %mul3A_536 = vector.broadcast %slice3A_535 : vector<1x2048xf32> to vector<512x2048xf32>
    %mul3A_537 = arith.mulf %convert_element_type3A_534, %mul3A_536 : vector<512x2048xf32>
    %reduce_sum3A_538 = arith.constant dense<0.000000e+00> : vector<512xf32>
    %reduce_sum3A_539 = vector.multi_reduction <add>, %mul3A_537, %reduce_sum3A_538 [1] : vector<512x2048xf32> to vector<512xf32>
    %broadcast_in_dim3A_540 = vector.shape_cast %reduce_sum3A_539 : vector<512xf32> to vector<512x1xf32>
    %slice3A_541 = vector.extract_strided_slice %get3A_4 {offsets = [1, 0], sizes = [1, 2048], strides = [1, 1]} : vector<4x2048xf32> to vector<1x2048xf32>
    %mul3A_542 = vector.broadcast %slice3A_541 : vector<1x2048xf32> to vector<512x2048xf32>
    %mul3A_543 = arith.mulf %convert_element_type3A_534, %mul3A_542 : vector<512x2048xf32>
    %reduce_sum3A_544 = arith.constant dense<0.000000e+00> : vector<512xf32>
    %reduce_sum3A_545 = vector.multi_reduction <add>, %mul3A_543, %reduce_sum3A_544 [1] : vector<512x2048xf32> to vector<512xf32>
    %broadcast_in_dim3A_546 = vector.shape_cast %reduce_sum3A_545 : vector<512xf32> to vector<512x1xf32>
    %slice3A_547 = vector.extract_strided_slice %get3A_4 {offsets = [2, 0], sizes = [1, 2048], strides = [1, 1]} : vector<4x2048xf32> to vector<1x2048xf32>
    %mul3A_548 = vector.broadcast %slice3A_547 : vector<1x2048xf32> to vector<512x2048xf32>
    %mul3A_549 = arith.mulf %convert_element_type3A_534, %mul3A_548 : vector<512x2048xf32>
    %reduce_sum3A_550 = arith.constant dense<0.000000e+00> : vector<512xf32>
    %reduce_sum3A_551 = vector.multi_reduction <add>, %mul3A_549, %reduce_sum3A_550 [1] : vector<512x2048xf32> to vector<512xf32>
    %broadcast_in_dim3A_552 = vector.shape_cast %reduce_sum3A_551 : vector<512xf32> to vector<512x1xf32>
    %slice3A_553 = vector.extract_strided_slice %get3A_4 {offsets = [3, 0], sizes = [1, 2048], strides = [1, 1]} : vector<4x2048xf32> to vector<1x2048xf32>
    %mul3A_554 = vector.broadcast %slice3A_553 : vector<1x2048xf32> to vector<512x2048xf32>
    %mul3A_555 = arith.mulf %convert_element_type3A_534, %mul3A_554 : vector<512x2048xf32>
    %reduce_sum3A_556 = arith.constant dense<0.000000e+00> : vector<512xf32>
    %reduce_sum3A_557 = vector.multi_reduction <add>, %mul3A_555, %reduce_sum3A_556 [1] : vector<512x2048xf32> to vector<512xf32>
    %broadcast_in_dim3A_558 = vector.shape_cast %reduce_sum3A_557 : vector<512xf32> to vector<512x1xf32>
    %mul3A_559 = vector.broadcast %select_n3A : vector<1x2048xf32> to vector<512x2048xf32>
    %mul3A_560 = arith.mulf %convert_element_type3A_534, %mul3A_559 : vector<512x2048xf32>
    %reduce_sum3A_561 = arith.constant dense<0.000000e+00> : vector<512xf32>
    %reduce_sum3A_562 = vector.multi_reduction <add>, %mul3A_560, %reduce_sum3A_561 [1] : vector<512x2048xf32> to vector<512xf32>
    %broadcast_in_dim3A_563 = vector.shape_cast %reduce_sum3A_562 : vector<512xf32> to vector<512x1xf32>
    %iota3A_564 = tpu.iota {dimensions = array<i32: 1>} : vector<1x5xi32>
    %broadcast_in_dim3A_565 = arith.constant 0.000000e+00 : f32
    %broadcast_in_dim3A_566 = vector.broadcast %broadcast_in_dim3A_565 : f32 to vector<512x5xf32>
    %eq3A_567 = arith.constant 0 : i32
    %eq3A_568 = vector.broadcast %eq3A_567 : i32 to vector<1x5xi32>
    %eq3A_569 = arith.cmpi eq, %iota3A_564, %eq3A_568 : vector<1x5xi32>
    %convert_element_type3A_570 = arith.extui %eq3A_569 : vector<1x5xi1> to vector<1x5xi32>
    %convert_element_type3A_571 = arith.sitofp %convert_element_type3A_570 : vector<1x5xi32> to vector<1x5xf32>
    %mul3A_572 = vector.broadcast %broadcast_in_dim3A_540 : vector<512x1xf32> to vector<512x5xf32>
    %mul3A_573 = vector.broadcast %convert_element_type3A_571 : vector<1x5xf32> to vector<512x5xf32>
    %mul3A_574 = arith.mulf %mul3A_572, %mul3A_573 : vector<512x5xf32>
    %add3A_575 = arith.addf %broadcast_in_dim3A_566, %mul3A_574 : vector<512x5xf32>
    %eq3A_576 = arith.constant 1 : i32
    %eq3A_577 = vector.broadcast %eq3A_576 : i32 to vector<1x5xi32>
    %eq3A_578 = arith.cmpi eq, %iota3A_564, %eq3A_577 : vector<1x5xi32>
    %convert_element_type3A_579 = arith.extui %eq3A_578 : vector<1x5xi1> to vector<1x5xi32>
    %convert_element_type3A_580 = arith.sitofp %convert_element_type3A_579 : vector<1x5xi32> to vector<1x5xf32>
    %mul3A_581 = vector.broadcast %broadcast_in_dim3A_546 : vector<512x1xf32> to vector<512x5xf32>
    %mul3A_582 = vector.broadcast %convert_element_type3A_580 : vector<1x5xf32> to vector<512x5xf32>
    %mul3A_583 = arith.mulf %mul3A_581, %mul3A_582 : vector<512x5xf32>
    %add3A_584 = arith.addf %add3A_575, %mul3A_583 : vector<512x5xf32>
    %eq3A_585 = arith.constant 2 : i32
    %eq3A_586 = vector.broadcast %eq3A_585 : i32 to vector<1x5xi32>
    %eq3A_587 = arith.cmpi eq, %iota3A_564, %eq3A_586 : vector<1x5xi32>
    %convert_element_type3A_588 = arith.extui %eq3A_587 : vector<1x5xi1> to vector<1x5xi32>
    %convert_element_type3A_589 = arith.sitofp %convert_element_type3A_588 : vector<1x5xi32> to vector<1x5xf32>
    %mul3A_590 = vector.broadcast %broadcast_in_dim3A_552 : vector<512x1xf32> to vector<512x5xf32>
    %mul3A_591 = vector.broadcast %convert_element_type3A_589 : vector<1x5xf32> to vector<512x5xf32>
    %mul3A_592 = arith.mulf %mul3A_590, %mul3A_591 : vector<512x5xf32>
    %add3A_593 = arith.addf %add3A_584, %mul3A_592 : vector<512x5xf32>
    %eq3A_594 = arith.constant 3 : i32
    %eq3A_595 = vector.broadcast %eq3A_594 : i32 to vector<1x5xi32>
    %eq3A_596 = arith.cmpi eq, %iota3A_564, %eq3A_595 : vector<1x5xi32>
    %convert_element_type3A_597 = arith.extui %eq3A_596 : vector<1x5xi1> to vector<1x5xi32>
    %convert_element_type3A_598 = arith.sitofp %convert_element_type3A_597 : vector<1x5xi32> to vector<1x5xf32>
    %mul3A_599 = vector.broadcast %broadcast_in_dim3A_558 : vector<512x1xf32> to vector<512x5xf32>
    %mul3A_600 = vector.broadcast %convert_element_type3A_598 : vector<1x5xf32> to vector<512x5xf32>
    %mul3A_601 = arith.mulf %mul3A_599, %mul3A_600 : vector<512x5xf32>
    %add3A_602 = arith.addf %add3A_593, %mul3A_601 : vector<512x5xf32>
    %eq3A_603 = arith.constant 4 : i32
    %eq3A_604 = vector.broadcast %eq3A_603 : i32 to vector<1x5xi32>
    %eq3A_605 = arith.cmpi eq, %iota3A_564, %eq3A_604 : vector<1x5xi32>
    %convert_element_type3A_606 = arith.extui %eq3A_605 : vector<1x5xi1> to vector<1x5xi32>
    %convert_element_type3A_607 = arith.sitofp %convert_element_type3A_606 : vector<1x5xi32> to vector<1x5xf32>
    %mul3A_608 = vector.broadcast %broadcast_in_dim3A_563 : vector<512x1xf32> to vector<512x5xf32>
    %mul3A_609 = vector.broadcast %convert_element_type3A_607 : vector<1x5xf32> to vector<512x5xf32>
    %mul3A_610 = arith.mulf %mul3A_608, %mul3A_609 : vector<512x5xf32>
    %add3A_611 = arith.addf %add3A_602, %mul3A_610 : vector<512x5xf32>
    %swap3A_612 = arith.constant 0 : index
    %swap3A_613 = arith.constant 0 : index
    %swap3A_614 = vector.load %arg3[%swap3A_612, %swap3A_613] : memref<512x5xf32, #tpu.memory_space<vmem>>, vector<512x5xf32>
    tpu.vector_store %arg3[%swap3A_612, %swap3A_613], %add3A_611 {strides = array<i32>} : memref<512x5xf32, #tpu.memory_space<vmem>>, vector<512x5xf32>,
    return
  }
}

</mosaic_0001>

<sc_bundles>
// kernel: gather_offload_async_start
scs
__scs_entry_jumppad:
0x0: {  	(pc) =	sbr.rel $0x88, $3  }
0x1: {  	(tag) =	ssettag $0x0;
	lr =	simm.s32 $0x1  }
0x2: {  	[smem:$0x3F9F] =	sst lr;
	_ =	strace $0xD0000000  }
0x3: {  	_ = 	snop  }
0x4: {  	_ = 	snop  }
0x5: {  	_ = 	snop  }
0x6: {  	_ = 	snop  }
0x7: {  	_ = 	snop  }
__scs_overlays_trampoline_lowered:
0x8: {  	[smem:$0x3FAE] =	sst s0  }
0x9: {  	[smem:$0x3FAF] =	sst s1  }
0xa: {  	[smem:$0x3FB0] =	sst s2  }
0xb: {  	[smem:$0x3FB1] =	sst s3  }
0xc: {  	[smem:$0x3FB2] =	sst s4  }
0xd: {  	[smem:$0x3FB3] =	sst s5  }
0xe: {  	[smem:$0x3FB4] =	sst s6  }
0xf: {  	[smem:$0x3FB5] =	sst s7  }
0x10: {  	[smem:$0x3FB6] =	sst s8  }
0x11: {  	[smem:$0x3FB7] =	sst s9;
	s0 =	simm.s32 @!p0 $0x0  }
0x12: {  	s1 =	sld [smem:$0x3F9D];
	s0 =	simm.s32 @p0 $0x1  }
0x13: {  	[smem:$0x3FB8] =	sst s0;
	s0 =	simm.s32 @!p1 $0x0  }
0x14: {  	s2 =	sld [smem:$0x3F9C];
	s0 =	simm.s32 @p1 $0x1  }
0x15: {  	[smem:$0x3FB9] =	sst s0;
	s0 =	simm.s32 @!p2 $0x0  }
0x16: {  	s3 =	sld [smem:$0x3FDB];
	s0 =	simm.s32 @p2 $0x1  }
0x17: {  	s4 =	simm.s32 $0x1BF5;
	[smem:$0x3FBB] =	sst s0  }
0x18: {  	s0 =	sld [smem:$0x3F9E];
	_ =	swait.ge [sflag:s4], $0x0  }
0x19: {  	s7 =	sld [smem:$0x3F9F]  }
0x1a: {  	s8 =	sadd.s32 $0xFFFFE003, lr  }
0x1b: {  	s9 =	sadd.s32 $0xFFFFFEF7, lr;
	s5 =	simm.s32 $0xFFFFFFFF;
	p2 =	slt.u32 s8, $0xFFFFF086  }
0x1c: {  	p1 =	slt.u32 s9, $0xF7A;
	s5 =	simm.s32 @!p2 $0x0  }
0x1d: {  	s5 =	simm.s32 @p1 $0x1;
	p0 =	seq.s32 s7, s2  }
0x1e: {  	s7 =	smul.u32 @!p0 $0xF7A, s2;
	p2 =	seq.s32 @!p0 s5, $0x0  }
0x1f: {  	s9 =	smul.u32 $0xF7A, s1;
	s8 =	simm.s32 @!p0 $0x1BF5;
	p2 =	por !p2, p0  }
0x20: {  	[sflag:s8] =	ssyncset.s32 @!p0 $0xFFFFF086;
	s6 =	sadd.s32 @!p0 s3, s7;
	s7 =	simm.s32 @!p0 $0x108  }
0x21: {  	s3 =	sadd.s32 s3, s9;
	s6 =	sadd.s32 @!p0 $0x88, s6;
	s7 =	simm.s32 @p2 $0x1082  }
0x22: {  	[simem:s7], [sflag:s8] =	dma.local @!p0 [hbm:s6], $0xF7A  }
0x23: {  	s9 =	sor.u32 $0xD0000000, s2;
	s6 =	simm.s32 $0x108;
	_ =	swait.ge @!p0 [sflag:s8], $0x0  }
0x24: {  	s3 =	sadd.s32 $0x88, s3;
	s6 =	simm.s32 @!p1 $0x1082;
	[sflag:s4] =	ssyncset.s32 $0xFFFFF086  }
0x25: {  	[simem:s6], [sflag:s4] =	dma.local [hbm:s3], $0xF7A  }
0x26: {  	[smem:$0x3F9F] =	sst s1;
	(tag) =	ssettag s2;
	_ =	strace s9  }
0x27: {  	s1 =	sld [smem:$0x3FAF]  }
0x28: {  	s2 =	sld [smem:$0x3FB0]  }
0x29: {  	s4 =	sld [smem:$0x3FB2]  }
0x2a: {  	p0 =	seq.s32 s5, $0x0;
	s5 =	sld [smem:$0x3FB3]  }
0x2b: {  	s6 =	sld [smem:$0x3FB4]  }
0x2c: {  	s7 =	sld [smem:$0x3FB5]  }
0x2d: {  	s3 =	simm.s32 $0x108;
	s8 =	sld [smem:$0x3FB6]  }
0x2e: {  	s3 =	simm.s32 @!p0 $0x1082;
	s9 =	sld [smem:$0x3FB7]  }
0x2f: {  	lr =	sadd.s32 s0, s3;
	s0 =	sld [smem:$0x3FAE]  }
0x30: {  	s3 =	sld [smem:$0x3FB1]  }
0x31: {  	[smem:$0x3FBA] =	sst s10  }
0x32: {  	s10 =	sld [smem:$0x3FB8];
	_ =	sdelay $0x3  }
0x33: {  	p0 =	seq.s32 s10, $0x1;
	s10 =	sld [smem:$0x3FBA];
	_ =	sdelay $0x3  }
0x34: {  	[smem:$0x3FBA] =	sst s10  }
0x35: {  	s10 =	sld [smem:$0x3FB9];
	_ =	sdelay $0x3  }
0x36: {  	p1 =	seq.s32 s10, $0x1;
	s10 =	sld [smem:$0x3FBA];
	_ =	sdelay $0x3  }
0x37: {  	[smem:$0x3FBA] =	sst s10  }
0x38: {  	s10 =	sld [smem:$0x3FBB]  }
0x39: {  	_ = 	snop;
	(pc) =	sbr.ind lr, $3  }
0x3a: {  	_ = 	snop  }
0x3b: {  	_ = 	snop  }
0x3c: {  	p2 =	seq.s32 s10, $0x1;
	s10 =	sld [smem:$0x3FBA]  }
0x3d: {  	_ =	shalt  }
0x3e: {  	_ =	shalt  }
0x3f: {  	_ =	shalt  }
0x40: {  	_ =	shalt  }
0x41: {  	_ =	shalt  }
0x42: {  	_ =	shalt  }
0x43: {  	_ =	shalt  }
0x44: {  	_ =	shalt  }
0x45: {  	_ =	shalt  }
0x46: {  	_ =	shalt  }
0x47: {  	_ =	shalt  }
0x48: {  	_ =	shalt  }
0x49: {  	_ =	shalt  }
0x4a: {  	_ =	shalt  }
0x4b: {  	_ =	shalt  }
0x4c: {  	_ =	shalt  }
0x4d: {  	_ =	shalt  }
0x4e: {  	_ =	shalt  }
0x4f: {  	_ =	shalt  }
0x50: {  	_ =	shalt  }
0x51: {  	_ =	shalt  }
0x52: {  	_ =	shalt  }
0x53: {  	_ =	shalt  }
0x54: {  	_ =	shalt  }
0x55: {  	_ =	shalt  }
0x56: {  	_ =	shalt  }
0x57: {  	_ =	shalt  }
0x58: {  	_ =	shalt  }
0x59: {  	_ =	shalt  }
0x5a: {  	_ =	shalt  }
0x5b: {  	_ =	shalt  }
0x5c: {  	_ =	shalt  }
0x5d: {  	_ =	shalt  }
0x5e: {  	_ =	shalt  }
0x5f: {  	_ =	shalt  }
0x60: {  	_ =	shalt  }
0x61: {  	_ =	shalt  }
0x62: {  	_ =	shalt  }
0x63: {  	_ =	shalt  }
0x64: {  	_ =	shalt  }
0x65: {  	_ =	shalt  }
0x66: {  	_ =	shalt  }
0x67: {  	_ =	shalt  }
0x68: {  	_ =	shalt  }
0x69: {  	_ =	shalt  }
0x6a: {  	_ =	shalt  }
0x6b: {  	_ =	shalt  }
0x6c: {  	_ =	shalt  }
0x6d: {  	_ =	shalt  }
0x6e: {  	_ =	shalt  }
0x6f: {  	_ =	shalt  }
0x70: {  	_ =	shalt  }
0x71: {  	_ =	shalt  }
0x72: {  	_ =	shalt  }
0x73: {  	_ =	shalt  }
0x74: {  	_ =	shalt  }
0x75: {  	_ =	shalt  }
0x76: {  	_ =	shalt  }
0x77: {  	_ =	shalt  }
0x78: {  	_ =	shalt  }
0x79: {  	_ =	shalt  }
0x7a: {  	_ =	shalt  }
0x7b: {  	_ =	shalt  }
0x7c: {  	_ =	shalt  }
0x7d: {  	_ =	shalt  }
0x7e: {  	_ =	shalt  }
0x7f: {  	_ =	shalt  }
0x80: {  	_ =	shalt  }
0x81: {  	_ =	shalt  }
0x82: {  	_ =	shalt  }
0x83: {  	_ =	shalt  }
0x84: {  	_ =	shalt  }
0x85: {  	_ =	shalt  }
0x86: {  	_ =	shalt  }
0x87: {  	_ =	shalt  }
.Lfunc_end0:
.L_simem_size_0:
called_computation_lowered:
.L_overlay_start_0:
0x88: {  	s2 =	sld [smem:$0x3FD9]  }
0x89: {  	s3 =	sld [smem:$0x3FFE];
	_ =	sdelay $0x1  }
0x8a: {  	s1 =	srdreg.scid  }
0x8b: {  	s0 =	sand.u32 $0x1, s1  }
0x8c: {  	s17 =	sshll.u32 s0, $0xA;
	s2 =	sadd.s32 s3, s2  }
0x8d: {  	s2 =	sadd.s32 s2, s17  }
0x8e: {  	[smem:$0x3FC6] =	sst s2  }
0x8f: {  	_ = 	snop  }
0x90: {  	s2 =	sld [smem:$0x3FD0];
	(tm) =	ssettm $0x1  }
0x91: {  	s18 =	sld [smem:$0x3FFB];
	_ =	sdelay $0x3  }
0x92: {  	_ =	strace s18  }
0x93: {  	s3 =	sld [smem:$0x3FFC];
	_ =	sdelay $0x3  }
0x94: {  	_ =	strace s3  }
0x95: {  	s3 =	sld [smem:$0x3FFD];
	_ =	sdelay $0x3  }
0x96: {  	_ =	strace s3  }
0x97: {  	_ =	strace $0x8FFFFFFF  }
0x98: {  	s19 =	sld [smem:$0x3FDB];
	_ =	sdelay $0x1  }
0x99: {  	s4 =	simm.s32 $_scs_section_size  }
0x9a: {  	s5 =	simm.s32 $_size__tile_overlayer_lowered;
	s6 =	simm.s32 $_tile_overlayer_lowered  }
0x9b: {  	s22 =	simm.s32 $0x1BFF;
	s21 =	sshll.u32 s6, $0x1;
	s3 =	sadd.s32 s4, s19  }
0x9c: {  	s7 =	simm.s32 $0x0;
	s20 =	sshll.u32 s5, $0x1;
	s5 =	sadd.s32 s21, s3  }
0x9d: {  	[timem:s7], [sflag:s22] =	dma.local [hbm:s5], s20  }
0x9e: {  	_ =	swait.ge [sflag:s22], s20  }
0x9f: {  	s4 =	ssub.s32 $0x0, s20;
	[sflag:s22] =	ssyncset.done $0x0  }
0xa0: {  	[sflag:s22] =	ssyncadd.s32 s4;
	_ =	sdelay $0x1  }
0xa1: {  	s23 =	simm.s32 $0x1B8B  }
0xa2: {  	_ =	swait.ge [sflag:s23], $0x1  }
0xa3: {  	[sflag:s23] =	ssyncset.done $0x0  }
0xa4: {  	s25 =	simm.s32 $0x1B8E;
	s24 =	sld [smem:$0x3FFE];
	[sflag:s23] =	ssyncadd.s32 $0xFFFFFFFF  }
0xa5: {  	s26 =	simm.s32 $execute0_lowered;
	[smem:$0x3FD2] =	sst s25  }
0xa6: {  	s5 =	sshll.u32 s26, $0x1;
	_ =	strace $0x80000046;
	[dreg:$0x1] =	wrdreg $0xFFFFFFFF  }
0xa7: {  	s28 =	simm.s32 $_size_execute0_lowered;
	s3 =	sadd.s32 s3, s5;
	[dreg:$0x0] =	wrdreg $0x0  }
0xa8: {  	s5 =	sshll.u32 s28, $0x1;
	[dreg:$0x2] =	wrdreg s3  }
0xa9: {  	[dreg:$0x3] =	wrdreg s5  }
0xaa: {  	[dreg:$0x4] =	wrdreg $0xC0  }
0xab: {  	_ =	task [dreg:s7], $0x5FFFF  }
0xac: {  	[dreg:$0x1] =	wrdreg $0xFFFFFFFF  }
0xad: {  	[dreg:$0x0] =	wrdreg $0x60  }
0xae: {  	[dreg:$0x2] =	wrdreg s24  }
0xaf: {  	[dreg:$0x3] =	wrdreg s2  }
0xb0: {  	[dreg:$0x4] =	wrdreg $0x9  }
0xb1: {  	_ =	task.clear_ibuf [dreg:s7], $0x5FFFF;
	_ =	strace $0x90000046  }
0xb2: {  	s29 =	simm.s32 $0x9;
	_ =	strace $0x80000048  }
0xb3: {  	_ =	swait.ge [sflag:s29], $0x1  }
0xb4: {  	[sflag:s29] =	ssyncadd.s32 $0xFFFFFFFF  }
0xb5: {  	_ =	strace $0x90000048  }
0xb6: {  	_ =	sfence  }
0xb7: {  	s30 =	sld [smem:$0x0];
	_ =	sdelay $0x2  }
0xb8: {  	s31 =	sshll.u32 s1, $0xD;
	s1 =	sshrl.u32 s1, $0x2  }
0xb9: {  	s3 =	sand.u32 $0x4000, s31;
	s1 =	sadd.s32 s1, s30  }
0xba: {  	s0 =	sor.u32 s3, s0;
	s1 =	sshll.u32 s1, $0x11  }
0xbb: {  	s0 =	sor.u32 s1, s0  }
0xbc: {  	s0 =	sadd.s32 $0x8F2B, s0  }
0xbd: {  	[sflag:s0] =	ssyncadd.remote.s32 $0x1  }
0xbe: {  	_ =	sfence.sel $0xFFFF  }
0xbf: {  	[dreg:$0x0] =	wrdreg $0xFFFFFFFF;
	(pc) =	sbr.abs _section_cstart, $3  }
0xc0: {  	[dreg:$0x1] =	wrdreg $0xFFFFFFFF  }
0xc1: {  	_ =	task.clear_ibuf [dreg:s7], $0x2FFFF;
	_ =	strace $0x9FFFFFFF  }
0xc2: {  	(tm) =	ssettm $0x7FFFFFFF  }
0xc3: {  	_ =	shalt  }
tec
execute0_lowered:
.L_overlay_start_1:
0x0: {  	(tag) =	ssettag $0x1  }
0x1: {  	s2 =	rddreg [dreg:$0x0]  }
0x2: {  	s3 =	rddreg [dreg:$0x1]  }
0x3: {  	s0 =	rddreg [dreg:$0x2];
	s1 =	srdreg.scid;
	_ =	strace $0x80000047  }
0x4: {  	s4 =	simm.s32 $0x1;
	s9 =	simm.s32 $0x3;
	s5 =	sshll.u32 s1, $0x4  }
.Ltmp0:
0x5: {  	s1 =	stileid.u32;
	s5 =	sand.u32 $0x10, s5;
	(pc) =	sbr.rel .LBB2_1-.Ltmp0, $4  }
0x6: {  	s12 =	simm.s32 $0x0;
	s10 =	simm.s32 $0x0;
	s6 =	sor.u32 s1, s5  }
0x7: {  	[sflag:s4] =	ssyncpa.u1 $0x0;
	s5 =	simm.s32 $0x2;
	s6 =	sshll.u32 s6, $0x6  }
0x8: {  	s7 =	sadd.s32 $0x4E200, s2;
	[sflag:s5] =	ssyncpa.u1 $0x0;
	s8 =	sadd.s32 $0x40, s6  }
0x9: {  	vm0 =	vmmov $0xff;
	vm1 =	vcmask $0x3F20;
	[sflag:s9] =	ssyncpa.u1 $0x0;
	s9 =	simm.s32 $0x40;
	s11 =	smov.u32 s6  }
.LBB2_9:
0xa: {  	p0 =	seq.s32 s10, $0x2  }
.Ltmp1:
0xb: {  	_ = 	snop;
	(pc) =	sbr.rel @p0 .LBB2_11-.Ltmp1, $1  }
0xc: {  	_ =	sdelay $0x3  }
.LBB2_10:
0xd: {  	s12 =	sadd.s32 $0x40, s11  }
0xe: {  	s13 =	smov.u32 s6;
	p0 =	slt.s32 s12, s8  }
0xf: {  	s13 =	smov.u32 @p0 s12  }
0x10: {  	s10 =	sadd.s32 $0x1, s10;
	s12 =	smov.u32 s11;
	s11 =	smov.u32 s13  }
.LBB2_1:
0x11: {  	p0 =	sne.s32 s10, $0x0  }
.Ltmp2:
0x12: {  	_ = 	snop;
	(pc) =	sbr.rel @!p0 .LBB2_2-.Ltmp2, $1  }
0x13: {  	_ =	sdelay $0x3  }
0x14: {  	s13 =	sand.u32 $0x1, s10  }
0x15: {  	p0 =	seq.s32 s13, $0x0  }
.Ltmp3:
0x16: {  	_ = 	snop;
	(pc) =	sbr.rel @p0 .LBB2_9-.Ltmp3, $1  }
0x17: {  	_ =	sdelay $0x3  }
0x18: {  	_ =	swait.ge [sflag:s5], $0x40  }
0x19: {  	[sflag:s5] =	ssyncset.done $0x0  }
0x1a: {  	s13 =	simm.s32 $0x0;
	[sflag:s5] =	ssyncadd.s32 $0xFFFFFFC0  }
0x1b: {  	v0 =	vld.msk [tilespmem:s13+$0x40 ss:$0x1], $0xffff;
	_ =	sdelay $0x4  }
0x1c: {  	vm2 =	vgt.s32 v0, $0x0  }
0x1d: {  	v0 =	vnsel vm2, $0x0, v0  }
0x1e: {  	v0 =	vmin.u32 v0, $0x4E1F  }
0x1f: {  	v0 =	vshll.u32 v0, $0x4;
	_ =	sdelay $0x3  }
0x20: {  	s13 =	simm.s32 $0x2080  }
0x21: {  	[tilespmem:s13], [sflag:$0x1] =	stream.indirect_vreg.gather [hbm:s2], $0x80, v0, vm0, $0x38;
	[tilespmem:$0x4080] =	vst v63  }
0x22: {  	s14 =	simm.s32 $0x2480;
	s31 =	simm.s32 $0x10  }
0x23: {  	[tilespmem:s14], [sflag:$0x1] =	stream.indirect_vreg.gather [hbm:s2], $0x80, v0, vm1, $0x38;
	[tilespmem:$0x4080] =	vst v63  }
0x24: {  	s14 =	simm.s32 $0x80;
	v0 =	vld.msk [tilespmem:s31+$0x40 ss:$0x1], $0xffff  }
.LBB2_5:
0x25: {  	p0 =	sne.s32 s14, $0xC0;
	_ =	sdelay $0x4  }
0x26: {  	vm2 =	vgt.s32 v0, $0x0  }
0x27: {  	v0 =	vnsel vm2, $0x0, v0  }
0x28: {  	v0 =	vmin.u32 v0, $0x4E1F  }
0x29: {  	v0 =	vshll.u32 v0, $0x4;
	_ =	sdelay $0x3  }
.Ltmp4:
0x2a: {  	s13 =	sadd.s32 $0x800, s13;
	(pc) =	sbr.rel @p0 .LBB2_5-.Ltmp4, $4  }
0x2b: {  	[tilespmem:s13], [sflag:$0x1] =	stream.indirect_vreg.gather [hbm:s2], $0x80, v0, vm0, $0x38;
	[tilespmem:$0x4080] =	vst v63  }
0x2c: {  	s15 =	sshra.s32 s14, $0x2;
	s16 =	sadd.s32 $0x400, s13  }
0x2d: {  	[tilespmem:s16], [sflag:$0x1] =	stream.indirect_vreg.gather [hbm:s2], $0x80, v0, vm1, $0x38;
	[tilespmem:$0x4080] =	vst v63  }
0x2e: {  	s14 =	sadd.s32 $0x40, s14;
	v0 =	vld.msk [tilespmem:s15+$0x40 ss:$0x1], $0xffff  }
0x2f: {  	_ =	sdelay $0x3  }
0x30: {  	vm2 =	vgt.s32 v0, $0x0  }
0x31: {  	v0 =	vnsel vm2, $0x0, v0  }
0x32: {  	v0 =	vmin.u32 v0, $0x4E1F  }
0x33: {  	v0 =	vshll.u32 v0, $0x4;
	_ =	sdelay $0x3  }
0x34: {  	s13 =	sadd.s32 $0x800, s13  }
0x35: {  	[tilespmem:s13], [sflag:$0x1] =	stream.indirect_vreg.gather [hbm:s2], $0x80, v0, vm0, $0x38;
	[tilespmem:$0x4080] =	vst v63  }
0x36: {  	s13 =	sadd.s32 $0x400, s13  }
0x37: {  	[tilespmem:s13], [sflag:$0x1] =	stream.indirect_vreg.gather [hbm:s2], $0x80, v0, vm1, $0x38;
	[tilespmem:$0x4080] =	vst v63  }
0x38: {  	s12 =	sshll.u32 s12, $0x4;
	s14 =	simm.s32 $0x80;
	_ =	swait.ge [sflag:s4], $0x2000  }
0x39: {  	s15 =	simm.s32 $0x2480;
	s12 =	sadd.s32 s12, s7;
	[sflag:s4] =	ssyncset.done $0x0  }
0x3a: {  	s16 =	sadd.s32 $0x0, s12;
	s13 =	simm.s32 $0x2080;
	[sflag:s4] =	ssyncadd.s32 $0xFFFFE000  }
.LBB2_7:
0x3b: {  	[hbm:s16] =	stream.linear.scatter [tilespmem:s13], [sflag:$0x3], $0x400, $0x38;
	[tilespmem:$0x4080] =	vst v63  }
0x3c: {  	s16 =	smov.u32 s14;
	s13 =	smov.u32 s15;
	p0 =	sne.s32 s14, $0x380  }
.Ltmp5:
0x3d: {  	s14 =	sadd.s32 $0x80, s14;
	(pc) =	sbr.rel @p0 .LBB2_7-.Ltmp5, $2  }
0x3e: {  	_ =	sdelay $0x2  }
0x3f: {  	s15 =	sadd.s32 $0x400, s15;
	s16 =	sadd.s32 s16, s12  }
.Ltmp6:
0x40: {  	(pc) =	sbr.rel .LBB2_9-.Ltmp6, $2  }
0x41: {  	_ =	sdelay $0x2  }
0x42: {  	[hbm:s16] =	stream.linear.scatter [tilespmem:s13], [sflag:$0x3], $0x400, $0x38;
	[tilespmem:$0x4080] =	vst v63  }
.LBB2_2:
.Ltmp7:
0x43: {  	(pc) =	sbr.rel .LBB2_10-.Ltmp7, $4  }
0x44: {  	_ = 	snop  }
0x45: {  	s12 =	sshrl.u32 s11, $0x3  }
0x46: {  	s13 =	sand.u32 $0x7, s11;
	s12 =	sadd.s32 s3, s12  }
0x47: {  	[tilespmem:s9], [sflag:$0x2] =	stream.linear.gather [hbm4b:s12+s13], $0x40, $0x38;
	[tilespmem:$0x4080] =	vst v63  }
.LBB2_11:
0x48: {  	s2 =	simm.s32 $0x3  }
0x49: {  	_ =	swait.ge [sflag:s2], $0x2000  }
0x4a: {  	[sflag:s2] =	ssyncset.done $0x0  }
0x4b: {  	[sflag:s2] =	ssyncadd.s32 $0xFFFFE000  }
0x4c: {  	_ =	sfence.sel $0x180000  }
0x4d: {  	s3 =	simm.s32 $0x2;
	[bflag:$0x0] =	sbarrier.arrive $0xFFFF  }
0x4e: {  	[sflag:s3] =	ssyncpa.u1 $0x1  }
0x4f: {  	s31 =	simm.s32 $0x1;
	[sflag:s2] =	ssyncpa.u1 $0x1  }
0x50: {  	[sflag:s31] =	ssyncpa.u1 $0x1  }
0x51: {  	p0 =	sne.s32 s1, $0x0;
	_ =	strace $0x90000047  }
0x52: {  	s0 =	sadd.s32 @!p0 $0x100000, s0;
	[bflag:$0x2] =	sbarrier.arrive $0xFFFF  }
0x53: {  	[sflag:s0] =	ssyncadd.tile.s32 @!p0 $0x1;
	_ =	shalt  }
.Lfunc_end2:
_tile_overlayer_lowered:
.L_overlay_start_2:
0x54: {  	(tag) =	ssettag $0x2  }
0x55: {  	s0 =	rddreg [dreg:$0x0];
	s2 =	stileid.u32  }
0x56: {  	s1 =	rddreg [dreg:$0x1];
	p0 =	sne.s32 s2, $0x0  }
0x57: {  	s3 =	rddreg [dreg:$0x2];
	[bflag:$0x3] =	sbarrier.arrive $0xFFFF;
	s2 =	simm.s32 @!p0 $0x1C01  }
0x58: {  	[timem:s3], [sflag:s2] =	dma.local @!p0 [hbm:s0], s1  }
0x59: {  	s0 =	simm.s32 @!p0 $0x1  }
0x5a: {  	_ =	swait.ge @!p0 [sflag:s0], s1  }
0x5b: {  	s1 =	ssub.s32 @!p0 $0x0, s1;
	[sflag:s0] =	ssyncset.done @!p0 $0x0  }
0x5c: {  	[sflag:s0] =	ssyncadd.s32 @!p0 s1  }
0x5d: {  	[bflag:$0x3] =	sbarrier.arrive $0xFFFF  }
0x5e: {  	_ =	shalt  }

</sc_bundles>
